<compile_context>
chip_gen: v7x
topology: tpu7x:2x2x1
jax: 0.10.2.dev20260603
libtpu: 0.0.44.dev20260713+nightly
codegen_flags: <defaults>
</compile_context>

<pallas_src>
import functools

import jax
import jax.numpy as jnp
from jax import lax
from jax.experimental import pallas as pl
from jax.experimental.pallas import tpu as pltpu
from jax.experimental.pallas import tpu_sc as plsc

_EPS = 1e-7


def _matTt(x, w):
    return lax.dot_general(x, w, (((1,), (1,)), ((), ())),
                           preferred_element_type=jnp.float32)


def _pre_body(n_dummy, n_rows_real, y_ref, wb_ref, bb_ref,
              e3_ref, u2_ref, mb_ref, ei_ref):
    y = y_ref[...]
    yn2 = jnp.sum(y * y, axis=1, keepdims=True)
    th = jnp.maximum(jnp.sqrt(1.0 + yn2), 1.0 + _EPS)
    a = jnp.log(th + jnp.sqrt(th * th - 1.0))
    yn = jnp.maximum(jnp.sqrt(yn2), _EPS)
    u = (a / yn) * y
    dh = u.shape[1] // 2
    u2_ref[0] = u[:, :dh]
    u2_ref[1] = u[:, dh:]
    mb_ref[...] = _matTt(u, wb_ref[...]) + bb_ref[...]
    eb, er = ei_ref.shape[0], e3_ref.shape[1]
    grow = pl.program_id(0) * eb + lax.broadcasted_iota(jnp.int32, (eb, 128), 0)
    mask = grow < n_rows_real
    ei_ref[:, 0] = jnp.where(mask, e3_ref[1], 0)
    ei_ref[:, 1] = jnp.where(mask, e3_ref[0], n_dummy)


def _post_body(a_ref, d0_ref, d1_ref, mb_ref, ww_ref, bw_ref, o_ref):
    agg = jnp.concatenate([a_ref[0], a_ref[1]], axis=1)
    deg = d0_ref[...] + d1_ref[...]
    has = deg > 0.0
    inv = jnp.where(has, 1.0 / deg, 0.0)
    fw = _matTt(agg, ww_ref[...]) * inv + jnp.where(has, 1.0, 0.0) * bw_ref[...]
    g = fw + mb_ref[...]
    n = jnp.maximum(jnp.sqrt(jnp.sum(g * g, axis=1, keepdims=True)), _EPS)
    en = jnp.exp(n)
    ei = 1.0 / en
    o_ref[...] = jnp.concatenate([0.5 * (en + ei), (0.5 * (en - ei) / n) * g],
                                 axis=1)


_NC, _NS = 2, 16
_UNROLL = 8


def _make_sc_agg(n_acc, rows_total, dh):
    mesh = plsc.VectorSubcoreMesh(core_axis_name="c", subcore_axis_name="s")
    rows_t = rows_total // _NS
    nb = rows_t // _UNROLL
    sub_rows = n_acc // _NS
    ch = _UNROLL // 2

    @functools.partial(
        pl.kernel,
        out_type=[
            jax.ShapeDtypeStruct((_NC, n_acc, dh), jnp.float32),
            jax.ShapeDtypeStruct((_NC, n_acc), jnp.float32),
        ],
        mesh=mesh,
        scratch_types=[
            pltpu.VMEM((ch, 2, 128), jnp.int32),
            pltpu.VMEM((ch, 2, 128), jnp.int32),
            pltpu.VMEM((128, dh), jnp.float32),
            pltpu.VMEM((128, dh), jnp.float32),
            pltpu.VMEM((128, dh), jnp.float32),
            pltpu.VMEM((128, dh), jnp.float32),
            pltpu.VMEM((128,), jnp.float32),
            pltpu.VMEM_SHARED((n_acc, dh), jnp.float32),
            pltpu.VMEM_SHARED((n_acc,), jnp.float32),
            pltpu.VMEM_SHARED((n_acc, dh), jnp.float32),
            pltpu.SemaphoreType.DMA,
            pltpu.SemaphoreType.DMA,
            pltpu.SemaphoreType.DMA,
            pltpu.SemaphoreType.DMA,
            pltpu.SemaphoreType.DMA,
            pltpu.SemaphoreType.DMA,
            pltpu.SemaphoreType.DMA,
            pltpu.SemaphoreType.DMA,
            pltpu.SemaphoreType.DMA,
            pltpu.SemaphoreType.DMA,
        ],
        compiler_params=pltpu.CompilerParams(use_tc_tiling_on_sc=False),
    )
    def sc_agg(u2_hbm, ei_hbm, zrows_hbm, zdeg_hbm, ones_hbm,
               agg_out, deg_out, ca, cb, r0, r1, r2, r3, ones_v,
               acc_sh, deg_sh, u_sh,
               g0, g1, g2, g3, s0, s1, s2, s3, isa, isb):
        cid = lax.axis_index("c")
        sid = lax.axis_index("s")
        rows = (r0, r1, r2, r3)
        gsem = (g0, g1, g2, g3)
        ssem = (s0, s1, s2, s3)
        u_view = u2_hbm.at[cid]
        base = sid * rows_t

        pltpu.sync_copy(zrows_hbm, acc_sh.at[pl.ds(sid * sub_rows, sub_rows)])
        pltpu.sync_copy(
            u_view.at[pl.ds(sid * sub_rows, sub_rows)],
            u_sh.at[pl.ds(sid * sub_rows, sub_rows)],
        )

        @pl.when(sid == 0)
        def _():
            pltpu.sync_copy(zdeg_hbm, deg_sh)

        pltpu.sync_copy(ones_hbm, ones_v)

        def load_a(it):
            pltpu.async_copy(
                ei_hbm.at[pl.ds(base + it * _UNROLL, ch)], ca, isa)

        def wait_a(it):
            pltpu.make_async_copy(
                ei_hbm.at[pl.ds(base + it * _UNROLL, ch)], ca, isa).wait()

        def load_b(it):
            pltpu.async_copy(
                ei_hbm.at[pl.ds(base + it * _UNROLL + ch, ch)], cb, isb)

        def wait_b(it):
            pltpu.make_async_copy(
                ei_hbm.at[pl.ds(base + it * _UNROLL + ch, ch)], cb, isb).wait()

        def gather1(cref, r, j):
            pltpu.async_copy(u_sh.at[cref.at[r, 0]], rows[j], gsem[j])

        def wg(cref, r, j):
            pltpu.make_async_copy(
                u_sh.at[cref.at[r, 0]], rows[j], gsem[j]).wait()

        def scat1(cref, r, j):
            pltpu.async_copy(
                rows[j], acc_sh.at[cref.at[r, 1]], ssem[j], add=True)

        def ws(cref, r, j):
            pltpu.make_async_copy(
                rows[j], acc_sh.at[cref.at[r, 1]], ssem[j]).wait()

        def deg1(cref, r, j):
            pltpu.async_copy(
                ones_v, deg_sh.at[cref.at[r, 1]], ssem[j], add=True)

        def wdeg(cref, r, j):
            pltpu.make_async_copy(
                ones_v, deg_sh.at[cref.at[r, 1]], ssem[j]).wait()

        load_a(0)
        plsc.subcore_barrier()

        def body(it, carry):
            for s in range(_UNROLL):
                j = s % 4
                cref_s = ca if s < ch else cb
                r_s = s if s < ch else s - ch
                jp = (s - 1) % 4
                cref_p = cb if (s == 0 or s > ch) else ca
                r_p = (s - 1 if s <= ch else s - 1 - ch) if s > 0 else ch - 1

                if s < 4:
                    @pl.when(it > 0)
                    def _(s=s, j=j):
                        ws(cref_s, r_s, j)
                        hb = (s - 4) % 2

                        @pl.when(cid == hb)
                        def _():
                            wdeg(cref_s, r_s, j)
                else:
                    ws(cref_s, r_s, j)
                    hb = (s - 4) % 2

                    @pl.when(cid == hb)
                    def _(s=s, j=j):
                        wdeg(cref_s, r_s, j)

                if s == 0:
                    wait_a(it)
                if s == ch:
                    wait_b(it)

                gather1(cref_s, r_s, j)

                if s == 0:
                    @pl.when(it > 0)
                    def _():
                        wg(cref_p, r_p, jp)
                        scat1(cref_p, r_p, jp)

                        @pl.when(cid == 1)
                        def _():
                            deg1(cref_p, r_p, jp)
                else:
                    wg(cref_p, r_p, jp)
                    scat1(cref_p, r_p, jp)
                    hb = (s - 1) % 2

                    @pl.when(cid == hb)
                    def _(cref_p=cref_p, r_p=r_p, jp=jp):
                        deg1(cref_p, r_p, jp)

                if s == ch - 1:
                    load_b(it)
                if s == _UNROLL - 1:
                    @pl.when(it < nb - 1)
                    def _():
                        load_a(it + 1)

            return carry

        lax.fori_loop(0, nb, body, 0)

        wg(cb, ch - 1, 3)
        scat1(cb, ch - 1, 3)

        @pl.when(cid == 1)
        def _():
            deg1(cb, ch - 1, 3)

        for j in range(4):
            ws(cb, 0, j)
            hb = j % 2

            @pl.when(cid == hb)
            def _(j=j):
                wdeg(cb, 0, j)

        plsc.subcore_barrier()

        pltpu.sync_copy(
            acc_sh.at[pl.ds(sid * sub_rows, sub_rows)],
            agg_out.at[cid].at[pl.ds(sid * sub_rows, sub_rows)],
        )

        @pl.when(sid == 0)
        def _():
            pltpu.sync_copy(deg_sh, deg_out.at[cid])

    return sc_agg


def kernel(features, edge_index, Ww, bw, Wb, bb):
    n = features.shape[0]
    d = features.shape[1] - 1
    dh = d // _NC
    e = edge_index.shape[1]
    f32 = jnp.float32

    y = features[:, 1:]
    e3 = edge_index.reshape(2, e // 128, 128)

    rows_total = -(-e // 128)
    rows_total = -(-rows_total // (_NS * _UNROLL)) * (_NS * _UNROLL)

    sub_rows = -(-(n + 1) // (_NS * 8)) * 8
    n_acc = sub_rows * _NS
    zrows = jnp.zeros((sub_rows, dh), f32)
    zdeg = jnp.zeros((n_acc,), f32)
    ones128 = jnp.ones((128,), f32)

    bn = 2000
    grid = (n // bn,)

    gn = grid[0]
    ei_blk = rows_total // gn
    u2, mb, ei2 = pl.pallas_call(
        functools.partial(_pre_body, n, e // 128),
        grid=grid,
        in_specs=[
            pl.BlockSpec((bn, d), lambda i: (i, 0)),
            pl.BlockSpec((d, d), lambda i: (0, 0)),
            pl.BlockSpec((1, d), lambda i: (0, 0)),
            pl.BlockSpec((2, ei_blk, 128), lambda i: (0, i, 0)),
        ],
        out_specs=[
            pl.BlockSpec((_NC, bn, dh), lambda i: (0, i, 0)),
            pl.BlockSpec((bn, d), lambda i: (i, 0)),
            pl.BlockSpec((ei_blk, 2, 128), lambda i: (i, 0, 0)),
        ],
        out_shape=[
            jax.ShapeDtypeStruct((_NC, n_acc, dh), f32),
            jax.ShapeDtypeStruct((n, d), f32),
            jax.ShapeDtypeStruct((rows_total, 2, 128), jnp.int32),
        ],
    )(y, Wb, bb.reshape(1, d), e3)

    agg_p, deg_p = _make_sc_agg(n_acc, rows_total, dh)(
        u2, ei2, zrows, zdeg, ones128
    )

    agg2 = agg_p
    deg0 = deg_p[0, :n, None]
    deg1 = deg_p[1, :n, None]

    out = pl.pallas_call(
        _post_body,
        grid=grid,
        in_specs=[
            pl.BlockSpec((_NC, bn, dh), lambda i: (0, i, 0)),
            pl.BlockSpec((bn, 1), lambda i: (i, 0)),
            pl.BlockSpec((bn, 1), lambda i: (i, 0)),
            pl.BlockSpec((bn, d), lambda i: (i, 0)),
            pl.BlockSpec((d, d), lambda i: (0, 0)),
            pl.BlockSpec((1, d), lambda i: (0, 0)),
        ],
        out_specs=pl.BlockSpec((bn, d + 1), lambda i: (i, 0)),
        out_shape=jax.ShapeDtypeStruct((n, d + 1), f32),
    )(agg2, deg0, deg1, mb, Ww, bw.reshape(1, d))

    return out

# --- scband reference (transcript-rebuilt; emitter-appended) ---
"""Pipeline reference for scband-hgcnlayer-47854525612539 (READ-ONLY COPY).

The authoritative reference and input builder live on the scoring server;
editing this copy changes nothing except your own understanding.
"""

import jax, jax.numpy as jnp
import numpy as np

N = 10000
E = 320000
D_IN = 128
D_OUT = 128
C = 1.0


def _logmap0(x, c):
    # Lorentz (hyperboloid) log map at the origin; K = 1/c
    sqrtK = 1.0 / jnp.sqrt(c)
    y = x[:, 1:]
    y_norm = jnp.maximum(jnp.linalg.norm(y, axis=-1, keepdims=True), 1e-7)
    theta = jnp.maximum(x[:, 0:1] / sqrtK, 1.0 + 1e-7)
    space = sqrtK * jnp.arccosh(theta) * y / y_norm
    return jnp.concatenate([jnp.zeros_like(x[:, 0:1]), space], axis=-1)


def _expmap0(u, c):
    # Lorentz exponential map at the origin for tangent vectors (time coord 0)
    sqrtK = 1.0 / jnp.sqrt(c)
    xs = u[:, 1:]
    n = jnp.maximum(jnp.linalg.norm(xs, axis=-1, keepdims=True), 1e-7)
    theta = n / sqrtK
    time = sqrtK * jnp.cosh(theta)
    space = sqrtK * jnp.sinh(theta) * xs / n
    return jnp.concatenate([time, space], axis=-1)


def _hyp_linear(x, W, b, c):
    # model.matrixMultiplication: logmap0 -> Euclidean linear on spatial part -> expmap0
    u = _logmap0(x, c)
    mu = u[:, 1:] @ W.T + b
    u2 = jnp.concatenate([jnp.zeros((x.shape[0], 1), x.dtype), mu], axis=-1)
    return _expmap0(u2, c)


def setup_inputs(seed: int = 0):
    key = jax.random.key(seed)
    k1, k2, k3, k4, k5, k6 = jax.random.split(key, 6)
    # project random spatial features onto the hyperboloid: -x0^2 + ||xs||^2 = -1/c
    xs = 0.5 * jax.random.normal(k1, (N, D_IN), dtype=jnp.float32)
    x0 = jnp.sqrt(1.0 / C + jnp.sum(xs * xs, axis=-1, keepdims=True))
    features = jnp.concatenate([x0, xs], axis=-1)
    edge_index = jax.random.randint(k2, (2, E), 0, N, dtype=jnp.int32)
    Ww = jax.random.normal(k3, (D_OUT, D_IN), dtype=jnp.float32) / jnp.sqrt(D_IN)
    bw = 0.01 * jax.random.normal(k4, (D_OUT,), dtype=jnp.float32)
    Wb = jax.random.normal(k5, (D_OUT, D_IN), dtype=jnp.float32) / jnp.sqrt(D_IN)
    bb = 0.01 * jax.random.normal(k6, (D_OUT,), dtype=jnp.float32)
    return {"features": features, "edge_index": edge_index, "Ww": Ww, "bw": bw, "Wb": Wb, "bb": bb}


def reference(features, edge_index, Ww, bw, Wb, bb):
    n = features.shape[0]
    c = C
    # featureW branch: hyperbolic linear, logmap to tangent, D^{-1} A aggregation
    fW = _hyp_linear(features, Ww, bw, c)
    fW = _logmap0(fW, c)
    src = edge_index[0]
    dst = edge_index[1]
    # spmm(A, fW): row i sums fW over neighbors j with A[i, j] = 1
    agg = jax.ops.segment_sum(fW[dst], src, num_segments=n)
    deg = jax.ops.segment_sum(jnp.ones((edge_index.shape[1],), dtype=fW.dtype), src, num_segments=n)
    inv_deg = jnp.where(deg > 0, 1.0 / deg, 0.0)
    fW = agg * inv_deg[:, None]
    # featureB branch (self / bias path)
    fB = _logmap0(_hyp_linear(features, Wb, bb, c), c)
    out = _expmap0(fW + fB, c)
    return out

if __name__ == "__main__":
    import jax
    _d = setup_inputs()
    print(jax.jit(kernel)(*tuple(_d.values())))

</pallas_src>

<mosaic_0001>
#map = affine_map<(d0, d1) -> (0, 0, 0)>
#map1 = affine_map<(d0, d1) -> (0, 0)>
#map2 = affine_map<(d0, d1) -> (0)>
module attributes {stable_mosaic.version = 14 : i64} {
  func.func @sc_agg(%arg0: i32, %arg1: i32, %arg2: memref<2x10112x64xf32, #tpu.memory_space<hbm>>, %arg3: memref<2560x2x128xi32, #tpu.memory_space<hbm>>, %arg4: memref<632x64xf32, #tpu.memory_space<hbm>>, %arg5: memref<10112xf32, #tpu.memory_space<hbm>>, %arg6: memref<128xf32, #tpu.memory_space<hbm>>, %arg7: memref<2x10112x64xf32, #tpu.memory_space<hbm>>, %arg8: memref<2x10112xf32, #tpu.memory_space<hbm>>, %arg9: memref<4x2x128xi32, #tpu.memory_space<vmem>>, %arg10: memref<4x2x128xi32, #tpu.memory_space<vmem>>, %arg11: memref<128x64xf32, #tpu.memory_space<vmem>>, %arg12: memref<128x64xf32, #tpu.memory_space<vmem>>, %arg13: memref<128x64xf32, #tpu.memory_space<vmem>>, %arg14: memref<128x64xf32, #tpu.memory_space<vmem>>, %arg15: memref<128xf32, #tpu.memory_space<vmem>>, %arg16: memref<10112x64xf32, #tpu.memory_space<vmem_shared>>, %arg17: memref<10112xf32, #tpu.memory_space<vmem_shared>>, %arg18: memref<10112x64xf32, #tpu.memory_space<vmem_shared>>, %arg19: memref<!tpu.dma_semaphore, #tpu.memory_space<semaphore_mem>>, %arg20: memref<!tpu.dma_semaphore, #tpu.memory_space<semaphore_mem>>, %arg21: memref<!tpu.dma_semaphore, #tpu.memory_space<semaphore_mem>>, %arg22: memref<!tpu.dma_semaphore, #tpu.memory_space<semaphore_mem>>, %arg23: memref<!tpu.dma_semaphore, #tpu.memory_space<semaphore_mem>>, %arg24: memref<!tpu.dma_semaphore, #tpu.memory_space<semaphore_mem>>, %arg25: memref<!tpu.dma_semaphore, #tpu.memory_space<semaphore_mem>>, %arg26: memref<!tpu.dma_semaphore, #tpu.memory_space<semaphore_mem>>, %arg27: memref<!tpu.dma_semaphore, #tpu.memory_space<semaphore_mem>>, %arg28: memref<!tpu.dma_semaphore, #tpu.memory_space<semaphore_mem>>) attributes {dimension_semantics = [#tpu.dimension_semantics<core_parallel>, #tpu.dimension_semantics<subcore_parallel>], iteration_bounds = array<i64: 2, 16>, scalar_prefetch = 0 : i64, scratch_operands = 20 : i64, tpu.core_type = #tpu.core_type<sc_vector_subcore>, window_params = [{transform_indices = #map}, {transform_indices = #map}, {transform_indices = #map1}, {transform_indices = #map2}, {transform_indices = #map2}, {transform_indices = #map}, {transform_indices = #map1}]} {
    %mul3A = arith.constant 160 : i32
    %mul3A_0 = arith.muli %arg1, %mul3A : i32
    %mul3A_1 = arith.constant 632 : i32
    %mul3A_2 = arith.muli %arg1, %mul3A_1 : i32
    "tpu.region"() ({
      %run_scoped3A = tpu.sem_alloc : memref<!tpu.dma_semaphore, #tpu.memory_space<semaphore_mem>>
      %dma_start3A_102 = arith.constant 0 : i32
      %dma_start3A_103 = tpu.memref_slice %arg16[%mul3A_2, %dma_start3A_102] : memref<10112x64xf32, #tpu.memory_space<vmem_shared>> -> memref<632x64xf32, #tpu.memory_space<vmem_shared>>
      tpu.enqueue_dma source(%arg4 : memref<632x64xf32, #tpu.memory_space<hbm>>) target(%dma_start3A_103 : memref<632x64xf32, #tpu.memory_space<vmem_shared>>) target_semaphore(%run_scoped3A : memref<!tpu.dma_semaphore, #tpu.memory_space<semaphore_mem>>)
      %dma_wait3A_104 = arith.constant 0 : i32
      %dma_wait3A_105 = tpu.memref_slice %arg16[%mul3A_2, %dma_wait3A_104] : memref<10112x64xf32, #tpu.memory_space<vmem_shared>> -> memref<632x64xf32, #tpu.memory_space<vmem_shared>>
      tpu.wait_dma2 semaphore(%run_scoped3A : memref<!tpu.dma_semaphore, #tpu.memory_space<semaphore_mem>>) src(%arg4 : memref<632x64xf32, #tpu.memory_space<hbm>>) dst(%dma_wait3A_105 : memref<632x64xf32, #tpu.memory_space<vmem_shared>>)
      tpu.yield
    }) : () -> ()
    %mul3A_3 = arith.constant 632 : i32
    %mul3A_4 = arith.muli %arg1, %mul3A_3 : i32
    %mul3A_5 = arith.constant 632 : i32
    %mul3A_6 = arith.muli %arg1, %mul3A_5 : i32
    "tpu.region"() ({
      %run_scoped3A = tpu.sem_alloc : memref<!tpu.dma_semaphore, #tpu.memory_space<semaphore_mem>>
      %dma_start3A_102 = arith.constant 0 : i32
      %dma_start3A_103 = tpu.memref_slice %arg18[%mul3A_6, %dma_start3A_102] : memref<10112x64xf32, #tpu.memory_space<vmem_shared>> -> memref<632x64xf32, #tpu.memory_space<vmem_shared>>
      %dma_start3A_104 = arith.constant 0 : i32
      %dma_start3A_105 = arith.constant 0 : i32
      %dma_start3A_106 = tpu.memref_slice %arg2[%arg0, %dma_start3A_104, %dma_start3A_105] : memref<2x10112x64xf32, #tpu.memory_space<hbm>> -> memref<1x10112x64xf32, #tpu.memory_space<hbm>>
      %dma_start3A_107 = tpu.memref_squeeze %dma_start3A_106 : memref<1x10112x64xf32, #tpu.memory_space<hbm>> -> memref<10112x64xf32, #tpu.memory_space<hbm>>
      %dma_start3A_108 = arith.constant 0 : i32
      %dma_start3A_109 = tpu.memref_slice %dma_start3A_107[%mul3A_4, %dma_start3A_108] : memref<10112x64xf32, #tpu.memory_space<hbm>> -> memref<632x64xf32, #tpu.memory_space<hbm>>
      tpu.enqueue_dma source(%dma_start3A_109 : memref<632x64xf32, #tpu.memory_space<hbm>>) target(%dma_start3A_103 : memref<632x64xf32, #tpu.memory_space<vmem_shared>>) target_semaphore(%run_scoped3A : memref<!tpu.dma_semaphore, #tpu.memory_space<semaphore_mem>>)
      %dma_wait3A_110 = arith.constant 0 : i32
      %dma_wait3A_111 = tpu.memref_slice %arg18[%mul3A_6, %dma_wait3A_110] : memref<10112x64xf32, #tpu.memory_space<vmem_shared>> -> memref<632x64xf32, #tpu.memory_space<vmem_shared>>
      %dma_wait3A_112 = arith.constant 0 : i32
      %dma_wait3A_113 = arith.constant 0 : i32
      %dma_wait3A_114 = tpu.memref_slice %arg2[%arg0, %dma_wait3A_112, %dma_wait3A_113] : memref<2x10112x64xf32, #tpu.memory_space<hbm>> -> memref<1x10112x64xf32, #tpu.memory_space<hbm>>
      %dma_wait3A_115 = tpu.memref_squeeze %dma_wait3A_114 : memref<1x10112x64xf32, #tpu.memory_space<hbm>> -> memref<10112x64xf32, #tpu.memory_space<hbm>>
      %dma_wait3A_116 = arith.constant 0 : i32
      %dma_wait3A_117 = tpu.memref_slice %dma_wait3A_115[%mul3A_4, %dma_wait3A_116] : memref<10112x64xf32, #tpu.memory_space<hbm>> -> memref<632x64xf32, #tpu.memory_space<hbm>>
      tpu.wait_dma2 semaphore(%run_scoped3A : memref<!tpu.dma_semaphore, #tpu.memory_space<semaphore_mem>>) src(%dma_wait3A_117 : memref<632x64xf32, #tpu.memory_space<hbm>>) dst(%dma_wait3A_111 : memref<632x64xf32, #tpu.memory_space<vmem_shared>>)
      tpu.yield
    }) : () -> ()
    %eq3A = arith.constant 0 : i32
    %eq3A_7 = arith.cmpi eq, %arg1, %eq3A : i32
    %convert_element_type3A = arith.extui %eq3A_7 : i1 to i32
    %cond3A = arith.constant 0 : i32
    %cond3A_8 = arith.cmpi ne, %convert_element_type3A, %cond3A : i32
    scf.if %cond3A_8 {
      "tpu.region"() ({
        %run_scoped3A = tpu.sem_alloc : memref<!tpu.dma_semaphore, #tpu.memory_space<semaphore_mem>>
        tpu.enqueue_dma source(%arg5 : memref<10112xf32, #tpu.memory_space<hbm>>) target(%arg17 : memref<10112xf32, #tpu.memory_space<vmem_shared>>) target_semaphore(%run_scoped3A : memref<!tpu.dma_semaphore, #tpu.memory_space<semaphore_mem>>)
        tpu.wait_dma2 semaphore(%run_scoped3A : memref<!tpu.dma_semaphore, #tpu.memory_space<semaphore_mem>>) src(%arg5 : memref<10112xf32, #tpu.memory_space<hbm>>) dst(%arg17 : memref<10112xf32, #tpu.memory_space<vmem_shared>>)
        tpu.yield
      }) : () -> ()
    } else {
    }
    "tpu.region"() ({
      %run_scoped3A = tpu.sem_alloc : memref<!tpu.dma_semaphore, #tpu.memory_space<semaphore_mem>>
      tpu.enqueue_dma source(%arg6 : memref<128xf32, #tpu.memory_space<hbm>>) target(%arg15 : memref<128xf32, #tpu.memory_space<vmem>>) target_semaphore(%run_scoped3A : memref<!tpu.dma_semaphore, #tpu.memory_space<semaphore_mem>>)
      tpu.wait_dma2 semaphore(%run_scoped3A : memref<!tpu.dma_semaphore, #tpu.memory_space<semaphore_mem>>) src(%arg6 : memref<128xf32, #tpu.memory_space<hbm>>) dst(%arg15 : memref<128xf32, #tpu.memory_space<vmem>>)
      tpu.yield
    }) : () -> ()
    %add3A = arith.constant 0 : i32
    %add3A_9 = arith.addi %mul3A_0, %add3A : i32
    %dma_start3A = arith.constant 0 : i32
    %dma_start3A_10 = arith.constant 0 : i32
    %dma_start3A_11 = tpu.memref_slice %arg3[%add3A_9, %dma_start3A, %dma_start3A_10] : memref<2560x2x128xi32, #tpu.memory_space<hbm>> -> memref<4x2x128xi32, #tpu.memory_space<hbm>>
    %dma_start3A_12 = arith.constant 0 : i32
    %dma_start3A_13 = arith.constant 0 : i32
    %dma_start3A_14 = tpu.memref_slice %arg3[%add3A_9, %dma_start3A_12, %dma_start3A_13] : memref<2560x2x128xi32, #tpu.memory_space<hbm>> -> memref<4x2x128xi32, #tpu.memory_space<hbm>>
    tpu.enqueue_dma source(%dma_start3A_14 : memref<4x2x128xi32, #tpu.memory_space<hbm>>) target(%arg9 : memref<4x2x128xi32, #tpu.memory_space<vmem>>) target_semaphore(%arg27 : memref<!tpu.dma_semaphore, #tpu.memory_space<semaphore_mem>>)
    %barrier3A = arith.constant 0 : index
    tpu.barrier barrier_id(%barrier3A)
    %scan3A = arith.constant 0 : i32
    %scan3A_15 = arith.constant 0 : i32
    %scan3A_16 = arith.constant 20 : i32
    %scan3A_17 = arith.addi %scan3A_15, %scan3A_16 : i32
    %scan3A_18 = arith.constant 1 : i32
    scf.for %scan3A_102 = %scan3A_15 to %scan3A_17 step %scan3A_18  : i32 {
      %gt3A = arith.constant 0 : i32
      %gt3A_103 = arith.cmpi sgt, %scan3A_102, %gt3A : i32
      %convert_element_type3A_104 = arith.extui %gt3A_103 : i1 to i32
      %cond3A_105 = arith.constant 0 : i32
      %cond3A_106 = arith.cmpi ne, %convert_element_type3A_104, %cond3A_105 : i32
      scf.if %cond3A_106 {
        %dma_wait3A_425 = arith.constant 0 : i32
        %dma_wait3A_426 = arith.constant 1 : i32
        %dma_wait3A_427 = arith.constant 0 : i32
        %dma_wait3A_428 = tpu.memref_slice %arg9[%dma_wait3A_425, %dma_wait3A_426, %dma_wait3A_427] : memref<4x2x128xi32, #tpu.memory_space<vmem>> -> memref<1x1x128xi32, #tpu.memory_space<vmem>>
        %dma_wait3A_429 = tpu.memref_squeeze %dma_wait3A_428 : memref<1x1x128xi32, #tpu.memory_space<vmem>> -> memref<128xi32, #tpu.memory_space<vmem>>
        %dma_wait3A_430 = arith.constant 0 : i32
        %dma_wait3A_431 = arith.constant 0 : i32
        %dma_wait3A_432 = tpu.memref_slice %arg16[%dma_wait3A_430, %dma_wait3A_431] : memref<10112x64xf32, #tpu.memory_space<vmem_shared>> -> memref<10112x64xf32, #tpu.memory_space<vmem_shared>>
        tpu.wait_indirect_dma semaphore(%arg23 : memref<!tpu.dma_semaphore, #tpu.memory_space<semaphore_mem>>) src(%arg11 : memref<128x64xf32, #tpu.memory_space<vmem>>) dst(%dma_wait3A_432 : memref<10112x64xf32, #tpu.memory_space<vmem_shared>>)
        %eq3A_433 = arith.constant 0 : i32
        %eq3A_434 = arith.cmpi eq, %arg0, %eq3A_433 : i32
        %convert_element_type3A_435 = arith.extui %eq3A_434 : i1 to i32
        %cond3A_436 = arith.constant 0 : i32
        %cond3A_437 = arith.cmpi ne, %convert_element_type3A_435, %cond3A_436 : i32
        scf.if %cond3A_437 {
          %dma_wait3A_438 = arith.constant 0 : i32
          %dma_wait3A_439 = arith.constant 1 : i32
          %dma_wait3A_440 = arith.constant 0 : i32
          %dma_wait3A_441 = tpu.memref_slice %arg9[%dma_wait3A_438, %dma_wait3A_439, %dma_wait3A_440] : memref<4x2x128xi32, #tpu.memory_space<vmem>> -> memref<1x1x128xi32, #tpu.memory_space<vmem>>
          %dma_wait3A_442 = tpu.memref_squeeze %dma_wait3A_441 : memref<1x1x128xi32, #tpu.memory_space<vmem>> -> memref<128xi32, #tpu.memory_space<vmem>>
          %dma_wait3A_443 = arith.constant 0 : i32
          %dma_wait3A_444 = tpu.memref_slice %arg17[%dma_wait3A_443] : memref<10112xf32, #tpu.memory_space<vmem_shared>> -> memref<10112xf32, #tpu.memory_space<vmem_shared>>
          tpu.wait_indirect_dma semaphore(%arg23 : memref<!tpu.dma_semaphore, #tpu.memory_space<semaphore_mem>>) src(%arg15 : memref<128xf32, #tpu.memory_space<vmem>>) dst(%dma_wait3A_444 : memref<10112xf32, #tpu.memory_space<vmem_shared>>)
        } else {
        }
      } else {
      }
      %mul3A_107 = arith.constant 8 : i32
      %mul3A_108 = arith.muli %scan3A_102, %mul3A_107 : i32
      %add3A_109 = arith.addi %mul3A_0, %mul3A_108 : i32
      %dma_wait3A_110 = arith.constant 0 : i32
      %dma_wait3A_111 = arith.constant 0 : i32
      %dma_wait3A_112 = tpu.memref_slice %arg3[%add3A_109, %dma_wait3A_110, %dma_wait3A_111] : memref<2560x2x128xi32, #tpu.memory_space<hbm>> -> memref<4x2x128xi32, #tpu.memory_space<hbm>>
      %dma_wait3A_113 = arith.constant 0 : i32
      %dma_wait3A_114 = arith.constant 0 : i32
      %dma_wait3A_115 = tpu.memref_slice %arg3[%add3A_109, %dma_wait3A_113, %dma_wait3A_114] : memref<2560x2x128xi32, #tpu.memory_space<hbm>> -> memref<4x2x128xi32, #tpu.memory_space<hbm>>
      tpu.wait_dma2 semaphore(%arg27 : memref<!tpu.dma_semaphore, #tpu.memory_space<semaphore_mem>>) src(%dma_wait3A_115 : memref<4x2x128xi32, #tpu.memory_space<hbm>>) dst(%arg9 : memref<4x2x128xi32, #tpu.memory_space<vmem>>)
      %dma_start3A_116 = arith.constant 0 : i32
      %dma_start3A_117 = arith.constant 0 : i32
      %dma_start3A_118 = arith.constant 0 : i32
      %dma_start3A_119 = tpu.memref_slice %arg9[%dma_start3A_116, %dma_start3A_117, %dma_start3A_118] : memref<4x2x128xi32, #tpu.memory_space<vmem>> -> memref<1x1x128xi32, #tpu.memory_space<vmem>>
      %dma_start3A_120 = tpu.memref_squeeze %dma_start3A_119 : memref<1x1x128xi32, #tpu.memory_space<vmem>> -> memref<128xi32, #tpu.memory_space<vmem>>
      %dma_start3A_121 = arith.constant 0 : i32
      %dma_start3A_122 = arith.constant 0 : i32
      %dma_start3A_123 = tpu.memref_slice %arg18[%dma_start3A_121, %dma_start3A_122] : memref<10112x64xf32, #tpu.memory_space<vmem_shared>> -> memref<10112x64xf32, #tpu.memory_space<vmem_shared>>
      tpu.enqueue_indirect_dma source(%dma_start3A_123 : memref<10112x64xf32, #tpu.memory_space<vmem_shared>>) target(%arg11 : memref<128x64xf32, #tpu.memory_space<vmem>>) offsets(%dma_start3A_120 : memref<128xi32, #tpu.memory_space<vmem>>) semaphore(%arg19 : memref<!tpu.dma_semaphore, #tpu.memory_space<semaphore_mem>>)
      %gt3A_124 = arith.constant 0 : i32
      %gt3A_125 = arith.cmpi sgt, %scan3A_102, %gt3A_124 : i32
      %convert_element_type3A_126 = arith.extui %gt3A_125 : i1 to i32
      %cond3A_127 = arith.constant 0 : i32
      %cond3A_128 = arith.cmpi ne, %convert_element_type3A_126, %cond3A_127 : i32
      scf.if %cond3A_128 {
        %dma_wait3A_425 = arith.constant 3 : i32
        %dma_wait3A_426 = arith.constant 0 : i32
        %dma_wait3A_427 = arith.constant 0 : i32
        %dma_wait3A_428 = tpu.memref_slice %arg10[%dma_wait3A_425, %dma_wait3A_426, %dma_wait3A_427] : memref<4x2x128xi32, #tpu.memory_space<vmem>> -> memref<1x1x128xi32, #tpu.memory_space<vmem>>
        %dma_wait3A_429 = tpu.memref_squeeze %dma_wait3A_428 : memref<1x1x128xi32, #tpu.memory_space<vmem>> -> memref<128xi32, #tpu.memory_space<vmem>>
        %dma_wait3A_430 = arith.constant 0 : i32
        %dma_wait3A_431 = arith.constant 0 : i32
        %dma_wait3A_432 = tpu.memref_slice %arg18[%dma_wait3A_430, %dma_wait3A_431] : memref<10112x64xf32, #tpu.memory_space<vmem_shared>> -> memref<10112x64xf32, #tpu.memory_space<vmem_shared>>
        tpu.wait_indirect_dma semaphore(%arg22 : memref<!tpu.dma_semaphore, #tpu.memory_space<semaphore_mem>>) src(%dma_wait3A_432 : memref<10112x64xf32, #tpu.memory_space<vmem_shared>>) dst(%arg14 : memref<128x64xf32, #tpu.memory_space<vmem>>)
        %dma_start3A_433 = arith.constant 3 : i32
        %dma_start3A_434 = arith.constant 1 : i32
        %dma_start3A_435 = arith.constant 0 : i32
        %dma_start3A_436 = tpu.memref_slice %arg10[%dma_start3A_433, %dma_start3A_434, %dma_start3A_435] : memref<4x2x128xi32, #tpu.memory_space<vmem>> -> memref<1x1x128xi32, #tpu.memory_space<vmem>>
        %dma_start3A_437 = tpu.memref_squeeze %dma_start3A_436 : memref<1x1x128xi32, #tpu.memory_space<vmem>> -> memref<128xi32, #tpu.memory_space<vmem>>
        %dma_start3A_438 = arith.constant 0 : i32
        %dma_start3A_439 = arith.constant 0 : i32
        %dma_start3A_440 = tpu.memref_slice %arg16[%dma_start3A_438, %dma_start3A_439] : memref<10112x64xf32, #tpu.memory_space<vmem_shared>> -> memref<10112x64xf32, #tpu.memory_space<vmem_shared>>
        tpu.enqueue_indirect_dma source(%arg14 : memref<128x64xf32, #tpu.memory_space<vmem>>) target(%dma_start3A_440 : memref<10112x64xf32, #tpu.memory_space<vmem_shared>>) offsets(%dma_start3A_437 : memref<128xi32, #tpu.memory_space<vmem>>) semaphore(%arg26 : memref<!tpu.dma_semaphore, #tpu.memory_space<semaphore_mem>>) {add = true}
        %eq3A_441 = arith.constant 1 : i32
        %eq3A_442 = arith.cmpi eq, %arg0, %eq3A_441 : i32
        %convert_element_type3A_443 = arith.extui %eq3A_442 : i1 to i32
        %cond3A_444 = arith.constant 0 : i32
        %cond3A_445 = arith.cmpi ne, %convert_element_type3A_443, %cond3A_444 : i32
        scf.if %cond3A_445 {
          %dma_start3A_446 = arith.constant 3 : i32
          %dma_start3A_447 = arith.constant 1 : i32
          %dma_start3A_448 = arith.constant 0 : i32
          %dma_start3A_449 = tpu.memref_slice %arg10[%dma_start3A_446, %dma_start3A_447, %dma_start3A_448] : memref<4x2x128xi32, #tpu.memory_space<vmem>> -> memref<1x1x128xi32, #tpu.memory_space<vmem>>
          %dma_start3A_450 = tpu.memref_squeeze %dma_start3A_449 : memref<1x1x128xi32, #tpu.memory_space<vmem>> -> memref<128xi32, #tpu.memory_space<vmem>>
          %dma_start3A_451 = arith.constant 0 : i32
          %dma_start3A_452 = tpu.memref_slice %arg17[%dma_start3A_451] : memref<10112xf32, #tpu.memory_space<vmem_shared>> -> memref<10112xf32, #tpu.memory_space<vmem_shared>>
          tpu.enqueue_indirect_dma source(%arg15 : memref<128xf32, #tpu.memory_space<vmem>>) target(%dma_start3A_452 : memref<10112xf32, #tpu.memory_space<vmem_shared>>) offsets(%dma_start3A_450 : memref<128xi32, #tpu.memory_space<vmem>>) semaphore(%arg26 : memref<!tpu.dma_semaphore, #tpu.memory_space<semaphore_mem>>) {add = true}
        } else {
        }
      } else {
      }
      %gt3A_129 = arith.constant 0 : i32
      %gt3A_130 = arith.cmpi sgt, %scan3A_102, %gt3A_129 : i32
      %convert_element_type3A_131 = arith.extui %gt3A_130 : i1 to i32
      %cond3A_132 = arith.constant 0 : i32
      %cond3A_133 = arith.cmpi ne, %convert_element_type3A_131, %cond3A_132 : i32
      scf.if %cond3A_133 {
        %dma_wait3A_425 = arith.constant 1 : i32
        %dma_wait3A_426 = arith.constant 1 : i32
        %dma_wait3A_427 = arith.constant 0 : i32
        %dma_wait3A_428 = tpu.memref_slice %arg9[%dma_wait3A_425, %dma_wait3A_426, %dma_wait3A_427] : memref<4x2x128xi32, #tpu.memory_space<vmem>> -> memref<1x1x128xi32, #tpu.memory_space<vmem>>
        %dma_wait3A_429 = tpu.memref_squeeze %dma_wait3A_428 : memref<1x1x128xi32, #tpu.memory_space<vmem>> -> memref<128xi32, #tpu.memory_space<vmem>>
        %dma_wait3A_430 = arith.constant 0 : i32
        %dma_wait3A_431 = arith.constant 0 : i32
        %dma_wait3A_432 = tpu.memref_slice %arg16[%dma_wait3A_430, %dma_wait3A_431] : memref<10112x64xf32, #tpu.memory_space<vmem_shared>> -> memref<10112x64xf32, #tpu.memory_space<vmem_shared>>
        tpu.wait_indirect_dma semaphore(%arg24 : memref<!tpu.dma_semaphore, #tpu.memory_space<semaphore_mem>>) src(%arg12 : memref<128x64xf32, #tpu.memory_space<vmem>>) dst(%dma_wait3A_432 : memref<10112x64xf32, #tpu.memory_space<vmem_shared>>)
        %eq3A_433 = arith.constant 1 : i32
        %eq3A_434 = arith.cmpi eq, %arg0, %eq3A_433 : i32
        %convert_element_type3A_435 = arith.extui %eq3A_434 : i1 to i32
        %cond3A_436 = arith.constant 0 : i32
        %cond3A_437 = arith.cmpi ne, %convert_element_type3A_435, %cond3A_436 : i32
        scf.if %cond3A_437 {
          %dma_wait3A_438 = arith.constant 1 : i32
          %dma_wait3A_439 = arith.constant 1 : i32
          %dma_wait3A_440 = arith.constant 0 : i32
          %dma_wait3A_441 = tpu.memref_slice %arg9[%dma_wait3A_438, %dma_wait3A_439, %dma_wait3A_440] : memref<4x2x128xi32, #tpu.memory_space<vmem>> -> memref<1x1x128xi32, #tpu.memory_space<vmem>>
          %dma_wait3A_442 = tpu.memref_squeeze %dma_wait3A_441 : memref<1x1x128xi32, #tpu.memory_space<vmem>> -> memref<128xi32, #tpu.memory_space<vmem>>
          %dma_wait3A_443 = arith.constant 0 : i32
          %dma_wait3A_444 = tpu.memref_slice %arg17[%dma_wait3A_443] : memref<10112xf32, #tpu.memory_space<vmem_shared>> -> memref<10112xf32, #tpu.memory_space<vmem_shared>>
          tpu.wait_indirect_dma semaphore(%arg24 : memref<!tpu.dma_semaphore, #tpu.memory_space<semaphore_mem>>) src(%arg15 : memref<128xf32, #tpu.memory_space<vmem>>) dst(%dma_wait3A_444 : memref<10112xf32, #tpu.memory_space<vmem_shared>>)
        } else {
        }
      } else {
      }
      %dma_start3A_134 = arith.constant 1 : i32
      %dma_start3A_135 = arith.constant 0 : i32
      %dma_start3A_136 = arith.constant 0 : i32
      %dma_start3A_137 = tpu.memref_slice %arg9[%dma_start3A_134, %dma_start3A_135, %dma_start3A_136] : memref<4x2x128xi32, #tpu.memory_space<vmem>> -> memref<1x1x128xi32, #tpu.memory_space<vmem>>
      %dma_start3A_138 = tpu.memref_squeeze %dma_start3A_137 : memref<1x1x128xi32, #tpu.memory_space<vmem>> -> memref<128xi32, #tpu.memory_space<vmem>>
      %dma_start3A_139 = arith.constant 0 : i32
      %dma_start3A_140 = arith.constant 0 : i32
      %dma_start3A_141 = tpu.memref_slice %arg18[%dma_start3A_139, %dma_start3A_140] : memref<10112x64xf32, #tpu.memory_space<vmem_shared>> -> memref<10112x64xf32, #tpu.memory_space<vmem_shared>>
      tpu.enqueue_indirect_dma source(%dma_start3A_141 : memref<10112x64xf32, #tpu.memory_space<vmem_shared>>) target(%arg12 : memref<128x64xf32, #tpu.memory_space<vmem>>) offsets(%dma_start3A_138 : memref<128xi32, #tpu.memory_space<vmem>>) semaphore(%arg20 : memref<!tpu.dma_semaphore, #tpu.memory_space<semaphore_mem>>)
      %dma_wait3A_142 = arith.constant 0 : i32
      %dma_wait3A_143 = arith.constant 0 : i32
      %dma_wait3A_144 = arith.constant 0 : i32
      %dma_wait3A_145 = tpu.memref_slice %arg9[%dma_wait3A_142, %dma_wait3A_143, %dma_wait3A_144] : memref<4x2x128xi32, #tpu.memory_space<vmem>> -> memref<1x1x128xi32, #tpu.memory_space<vmem>>
      %dma_wait3A_146 = tpu.memref_squeeze %dma_wait3A_145 : memref<1x1x128xi32, #tpu.memory_space<vmem>> -> memref<128xi32, #tpu.memory_space<vmem>>
      %dma_wait3A_147 = arith.constant 0 : i32
      %dma_wait3A_148 = arith.constant 0 : i32
      %dma_wait3A_149 = tpu.memref_slice %arg18[%dma_wait3A_147, %dma_wait3A_148] : memref<10112x64xf32, #tpu.memory_space<vmem_shared>> -> memref<10112x64xf32, #tpu.memory_space<vmem_shared>>
      tpu.wait_indirect_dma semaphore(%arg19 : memref<!tpu.dma_semaphore, #tpu.memory_space<semaphore_mem>>) src(%dma_wait3A_149 : memref<10112x64xf32, #tpu.memory_space<vmem_shared>>) dst(%arg11 : memref<128x64xf32, #tpu.memory_space<vmem>>)
      %dma_start3A_150 = arith.constant 0 : i32
      %dma_start3A_151 = arith.constant 1 : i32
      %dma_start3A_152 = arith.constant 0 : i32
      %dma_start3A_153 = tpu.memref_slice %arg9[%dma_start3A_150, %dma_start3A_151, %dma_start3A_152] : memref<4x2x128xi32, #tpu.memory_space<vmem>> -> memref<1x1x128xi32, #tpu.memory_space<vmem>>
      %dma_start3A_154 = tpu.memref_squeeze %dma_start3A_153 : memref<1x1x128xi32, #tpu.memory_space<vmem>> -> memref<128xi32, #tpu.memory_space<vmem>>
      %dma_start3A_155 = arith.constant 0 : i32
      %dma_start3A_156 = arith.constant 0 : i32
      %dma_start3A_157 = tpu.memref_slice %arg16[%dma_start3A_155, %dma_start3A_156] : memref<10112x64xf32, #tpu.memory_space<vmem_shared>> -> memref<10112x64xf32, #tpu.memory_space<vmem_shared>>
      tpu.enqueue_indirect_dma source(%arg11 : memref<128x64xf32, #tpu.memory_space<vmem>>) target(%dma_start3A_157 : memref<10112x64xf32, #tpu.memory_space<vmem_shared>>) offsets(%dma_start3A_154 : memref<128xi32, #tpu.memory_space<vmem>>) semaphore(%arg23 : memref<!tpu.dma_semaphore, #tpu.memory_space<semaphore_mem>>) {add = true}
      %eq3A_158 = arith.constant 0 : i32
      %eq3A_159 = arith.cmpi eq, %arg0, %eq3A_158 : i32
      %convert_element_type3A_160 = arith.extui %eq3A_159 : i1 to i32
      %cond3A_161 = arith.constant 0 : i32
      %cond3A_162 = arith.cmpi ne, %convert_element_type3A_160, %cond3A_161 : i32
      scf.if %cond3A_162 {
        %dma_start3A_425 = arith.constant 0 : i32
        %dma_start3A_426 = arith.constant 1 : i32
        %dma_start3A_427 = arith.constant 0 : i32
        %dma_start3A_428 = tpu.memref_slice %arg9[%dma_start3A_425, %dma_start3A_426, %dma_start3A_427] : memref<4x2x128xi32, #tpu.memory_space<vmem>> -> memref<1x1x128xi32, #tpu.memory_space<vmem>>
        %dma_start3A_429 = tpu.memref_squeeze %dma_start3A_428 : memref<1x1x128xi32, #tpu.memory_space<vmem>> -> memref<128xi32, #tpu.memory_space<vmem>>
        %dma_start3A_430 = arith.constant 0 : i32
        %dma_start3A_431 = tpu.memref_slice %arg17[%dma_start3A_430] : memref<10112xf32, #tpu.memory_space<vmem_shared>> -> memref<10112xf32, #tpu.memory_space<vmem_shared>>
        tpu.enqueue_indirect_dma source(%arg15 : memref<128xf32, #tpu.memory_space<vmem>>) target(%dma_start3A_431 : memref<10112xf32, #tpu.memory_space<vmem_shared>>) offsets(%dma_start3A_429 : memref<128xi32, #tpu.memory_space<vmem>>) semaphore(%arg23 : memref<!tpu.dma_semaphore, #tpu.memory_space<semaphore_mem>>) {add = true}
      } else {
      }
      %gt3A_163 = arith.constant 0 : i32
      %gt3A_164 = arith.cmpi sgt, %scan3A_102, %gt3A_163 : i32
      %convert_element_type3A_165 = arith.extui %gt3A_164 : i1 to i32
      %cond3A_166 = arith.constant 0 : i32
      %cond3A_167 = arith.cmpi ne, %convert_element_type3A_165, %cond3A_166 : i32
      scf.if %cond3A_167 {
        %dma_wait3A_425 = arith.constant 2 : i32
        %dma_wait3A_426 = arith.constant 1 : i32
        %dma_wait3A_427 = arith.constant 0 : i32
        %dma_wait3A_428 = tpu.memref_slice %arg9[%dma_wait3A_425, %dma_wait3A_426, %dma_wait3A_427] : memref<4x2x128xi32, #tpu.memory_space<vmem>> -> memref<1x1x128xi32, #tpu.memory_space<vmem>>
        %dma_wait3A_429 = tpu.memref_squeeze %dma_wait3A_428 : memref<1x1x128xi32, #tpu.memory_space<vmem>> -> memref<128xi32, #tpu.memory_space<vmem>>
        %dma_wait3A_430 = arith.constant 0 : i32
        %dma_wait3A_431 = arith.constant 0 : i32
        %dma_wait3A_432 = tpu.memref_slice %arg16[%dma_wait3A_430, %dma_wait3A_431] : memref<10112x64xf32, #tpu.memory_space<vmem_shared>> -> memref<10112x64xf32, #tpu.memory_space<vmem_shared>>
        tpu.wait_indirect_dma semaphore(%arg25 : memref<!tpu.dma_semaphore, #tpu.memory_space<semaphore_mem>>) src(%arg13 : memref<128x64xf32, #tpu.memory_space<vmem>>) dst(%dma_wait3A_432 : memref<10112x64xf32, #tpu.memory_space<vmem_shared>>)
        %eq3A_433 = arith.constant 0 : i32
        %eq3A_434 = arith.cmpi eq, %arg0, %eq3A_433 : i32
        %convert_element_type3A_435 = arith.extui %eq3A_434 : i1 to i32
        %cond3A_436 = arith.constant 0 : i32
        %cond3A_437 = arith.cmpi ne, %convert_element_type3A_435, %cond3A_436 : i32
        scf.if %cond3A_437 {
          %dma_wait3A_438 = arith.constant 2 : i32
          %dma_wait3A_439 = arith.constant 1 : i32
          %dma_wait3A_440 = arith.constant 0 : i32
          %dma_wait3A_441 = tpu.memref_slice %arg9[%dma_wait3A_438, %dma_wait3A_439, %dma_wait3A_440] : memref<4x2x128xi32, #tpu.memory_space<vmem>> -> memref<1x1x128xi32, #tpu.memory_space<vmem>>
          %dma_wait3A_442 = tpu.memref_squeeze %dma_wait3A_441 : memref<1x1x128xi32, #tpu.memory_space<vmem>> -> memref<128xi32, #tpu.memory_space<vmem>>
          %dma_wait3A_443 = arith.constant 0 : i32
          %dma_wait3A_444 = tpu.memref_slice %arg17[%dma_wait3A_443] : memref<10112xf32, #tpu.memory_space<vmem_shared>> -> memref<10112xf32, #tpu.memory_space<vmem_shared>>
          tpu.wait_indirect_dma semaphore(%arg25 : memref<!tpu.dma_semaphore, #tpu.memory_space<semaphore_mem>>) src(%arg15 : memref<128xf32, #tpu.memory_space<vmem>>) dst(%dma_wait3A_444 : memref<10112xf32, #tpu.memory_space<vmem_shared>>)
        } else {
        }
      } else {
      }
      %dma_start3A_168 = arith.constant 2 : i32
      %dma_start3A_169 = arith.constant 0 : i32
      %dma_start3A_170 = arith.constant 0 : i32
      %dma_start3A_171 = tpu.memref_slice %arg9[%dma_start3A_168, %dma_start3A_169, %dma_start3A_170] : memref<4x2x128xi32, #tpu.memory_space<vmem>> -> memref<1x1x128xi32, #tpu.memory_space<vmem>>
      %dma_start3A_172 = tpu.memref_squeeze %dma_start3A_171 : memref<1x1x128xi32, #tpu.memory_space<vmem>> -> memref<128xi32, #tpu.memory_space<vmem>>
      %dma_start3A_173 = arith.constant 0 : i32
      %dma_start3A_174 = arith.constant 0 : i32
      %dma_start3A_175 = tpu.memref_slice %arg18[%dma_start3A_173, %dma_start3A_174] : memref<10112x64xf32, #tpu.memory_space<vmem_shared>> -> memref<10112x64xf32, #tpu.memory_space<vmem_shared>>
      tpu.enqueue_indirect_dma source(%dma_start3A_175 : memref<10112x64xf32, #tpu.memory_space<vmem_shared>>) target(%arg13 : memref<128x64xf32, #tpu.memory_space<vmem>>) offsets(%dma_start3A_172 : memref<128xi32, #tpu.memory_space<vmem>>) semaphore(%arg21 : memref<!tpu.dma_semaphore, #tpu.memory_space<semaphore_mem>>)
      %dma_wait3A_176 = arith.constant 1 : i32
      %dma_wait3A_177 = arith.constant 0 : i32
      %dma_wait3A_178 = arith.constant 0 : i32
      %dma_wait3A_179 = tpu.memref_slice %arg9[%dma_wait3A_176, %dma_wait3A_177, %dma_wait3A_178] : memref<4x2x128xi32, #tpu.memory_space<vmem>> -> memref<1x1x128xi32, #tpu.memory_space<vmem>>
      %dma_wait3A_180 = tpu.memref_squeeze %dma_wait3A_179 : memref<1x1x128xi32, #tpu.memory_space<vmem>> -> memref<128xi32, #tpu.memory_space<vmem>>
      %dma_wait3A_181 = arith.constant 0 : i32
      %dma_wait3A_182 = arith.constant 0 : i32
      %dma_wait3A_183 = tpu.memref_slice %arg18[%dma_wait3A_181, %dma_wait3A_182] : memref<10112x64xf32, #tpu.memory_space<vmem_shared>> -> memref<10112x64xf32, #tpu.memory_space<vmem_shared>>
      tpu.wait_indirect_dma semaphore(%arg20 : memref<!tpu.dma_semaphore, #tpu.memory_space<semaphore_mem>>) src(%dma_wait3A_183 : memref<10112x64xf32, #tpu.memory_space<vmem_shared>>) dst(%arg12 : memref<128x64xf32, #tpu.memory_space<vmem>>)
      %dma_start3A_184 = arith.constant 1 : i32
      %dma_start3A_185 = arith.constant 1 : i32
      %dma_start3A_186 = arith.constant 0 : i32
      %dma_start3A_187 = tpu.memref_slice %arg9[%dma_start3A_184, %dma_start3A_185, %dma_start3A_186] : memref<4x2x128xi32, #tpu.memory_space<vmem>> -> memref<1x1x128xi32, #tpu.memory_space<vmem>>
      %dma_start3A_188 = tpu.memref_squeeze %dma_start3A_187 : memref<1x1x128xi32, #tpu.memory_space<vmem>> -> memref<128xi32, #tpu.memory_space<vmem>>
      %dma_start3A_189 = arith.constant 0 : i32
      %dma_start3A_190 = arith.constant 0 : i32
      %dma_start3A_191 = tpu.memref_slice %arg16[%dma_start3A_189, %dma_start3A_190] : memref<10112x64xf32, #tpu.memory_space<vmem_shared>> -> memref<10112x64xf32, #tpu.memory_space<vmem_shared>>
      tpu.enqueue_indirect_dma source(%arg12 : memref<128x64xf32, #tpu.memory_space<vmem>>) target(%dma_start3A_191 : memref<10112x64xf32, #tpu.memory_space<vmem_shared>>) offsets(%dma_start3A_188 : memref<128xi32, #tpu.memory_space<vmem>>) semaphore(%arg24 : memref<!tpu.dma_semaphore, #tpu.memory_space<semaphore_mem>>) {add = true}
      %eq3A_192 = arith.constant 1 : i32
      %eq3A_193 = arith.cmpi eq, %arg0, %eq3A_192 : i32
      %convert_element_type3A_194 = arith.extui %eq3A_193 : i1 to i32
      %cond3A_195 = arith.constant 0 : i32
      %cond3A_196 = arith.cmpi ne, %convert_element_type3A_194, %cond3A_195 : i32
      scf.if %cond3A_196 {
        %dma_start3A_425 = arith.constant 1 : i32
        %dma_start3A_426 = arith.constant 1 : i32
        %dma_start3A_427 = arith.constant 0 : i32
        %dma_start3A_428 = tpu.memref_slice %arg9[%dma_start3A_425, %dma_start3A_426, %dma_start3A_427] : memref<4x2x128xi32, #tpu.memory_space<vmem>> -> memref<1x1x128xi32, #tpu.memory_space<vmem>>
        %dma_start3A_429 = tpu.memref_squeeze %dma_start3A_428 : memref<1x1x128xi32, #tpu.memory_space<vmem>> -> memref<128xi32, #tpu.memory_space<vmem>>
        %dma_start3A_430 = arith.constant 0 : i32
        %dma_start3A_431 = tpu.memref_slice %arg17[%dma_start3A_430] : memref<10112xf32, #tpu.memory_space<vmem_shared>> -> memref<10112xf32, #tpu.memory_space<vmem_shared>>
        tpu.enqueue_indirect_dma source(%arg15 : memref<128xf32, #tpu.memory_space<vmem>>) target(%dma_start3A_431 : memref<10112xf32, #tpu.memory_space<vmem_shared>>) offsets(%dma_start3A_429 : memref<128xi32, #tpu.memory_space<vmem>>) semaphore(%arg24 : memref<!tpu.dma_semaphore, #tpu.memory_space<semaphore_mem>>) {add = true}
      } else {
      }
      %gt3A_197 = arith.constant 0 : i32
      %gt3A_198 = arith.cmpi sgt, %scan3A_102, %gt3A_197 : i32
      %convert_element_type3A_199 = arith.extui %gt3A_198 : i1 to i32
      %cond3A_200 = arith.constant 0 : i32
      %cond3A_201 = arith.cmpi ne, %convert_element_type3A_199, %cond3A_200 : i32
      scf.if %cond3A_201 {
        %dma_wait3A_425 = arith.constant 3 : i32
        %dma_wait3A_426 = arith.constant 1 : i32
        %dma_wait3A_427 = arith.constant 0 : i32
        %dma_wait3A_428 = tpu.memref_slice %arg9[%dma_wait3A_425, %dma_wait3A_426, %dma_wait3A_427] : memref<4x2x128xi32, #tpu.memory_space<vmem>> -> memref<1x1x128xi32, #tpu.memory_space<vmem>>
        %dma_wait3A_429 = tpu.memref_squeeze %dma_wait3A_428 : memref<1x1x128xi32, #tpu.memory_space<vmem>> -> memref<128xi32, #tpu.memory_space<vmem>>
        %dma_wait3A_430 = arith.constant 0 : i32
        %dma_wait3A_431 = arith.constant 0 : i32
        %dma_wait3A_432 = tpu.memref_slice %arg16[%dma_wait3A_430, %dma_wait3A_431] : memref<10112x64xf32, #tpu.memory_space<vmem_shared>> -> memref<10112x64xf32, #tpu.memory_space<vmem_shared>>
        tpu.wait_indirect_dma semaphore(%arg26 : memref<!tpu.dma_semaphore, #tpu.memory_space<semaphore_mem>>) src(%arg14 : memref<128x64xf32, #tpu.memory_space<vmem>>) dst(%dma_wait3A_432 : memref<10112x64xf32, #tpu.memory_space<vmem_shared>>)
        %eq3A_433 = arith.constant 1 : i32
        %eq3A_434 = arith.cmpi eq, %arg0, %eq3A_433 : i32
        %convert_element_type3A_435 = arith.extui %eq3A_434 : i1 to i32
        %cond3A_436 = arith.constant 0 : i32
        %cond3A_437 = arith.cmpi ne, %convert_element_type3A_435, %cond3A_436 : i32
        scf.if %cond3A_437 {
          %dma_wait3A_438 = arith.constant 3 : i32
          %dma_wait3A_439 = arith.constant 1 : i32
          %dma_wait3A_440 = arith.constant 0 : i32
          %dma_wait3A_441 = tpu.memref_slice %arg9[%dma_wait3A_438, %dma_wait3A_439, %dma_wait3A_440] : memref<4x2x128xi32, #tpu.memory_space<vmem>> -> memref<1x1x128xi32, #tpu.memory_space<vmem>>
          %dma_wait3A_442 = tpu.memref_squeeze %dma_wait3A_441 : memref<1x1x128xi32, #tpu.memory_space<vmem>> -> memref<128xi32, #tpu.memory_space<vmem>>
          %dma_wait3A_443 = arith.constant 0 : i32
          %dma_wait3A_444 = tpu.memref_slice %arg17[%dma_wait3A_443] : memref<10112xf32, #tpu.memory_space<vmem_shared>> -> memref<10112xf32, #tpu.memory_space<vmem_shared>>
          tpu.wait_indirect_dma semaphore(%arg26 : memref<!tpu.dma_semaphore, #tpu.memory_space<semaphore_mem>>) src(%arg15 : memref<128xf32, #tpu.memory_space<vmem>>) dst(%dma_wait3A_444 : memref<10112xf32, #tpu.memory_space<vmem_shared>>)
        } else {
        }
      } else {
      }
      %dma_start3A_202 = arith.constant 3 : i32
      %dma_start3A_203 = arith.constant 0 : i32
      %dma_start3A_204 = arith.constant 0 : i32
      %dma_start3A_205 = tpu.memref_slice %arg9[%dma_start3A_202, %dma_start3A_203, %dma_start3A_204] : memref<4x2x128xi32, #tpu.memory_space<vmem>> -> memref<1x1x128xi32, #tpu.memory_space<vmem>>
      %dma_start3A_206 = tpu.memref_squeeze %dma_start3A_205 : memref<1x1x128xi32, #tpu.memory_space<vmem>> -> memref<128xi32, #tpu.memory_space<vmem>>
      %dma_start3A_207 = arith.constant 0 : i32
      %dma_start3A_208 = arith.constant 0 : i32
      %dma_start3A_209 = tpu.memref_slice %arg18[%dma_start3A_207, %dma_start3A_208] : memref<10112x64xf32, #tpu.memory_space<vmem_shared>> -> memref<10112x64xf32, #tpu.memory_space<vmem_shared>>
      tpu.enqueue_indirect_dma source(%dma_start3A_209 : memref<10112x64xf32, #tpu.memory_space<vmem_shared>>) target(%arg14 : memref<128x64xf32, #tpu.memory_space<vmem>>) offsets(%dma_start3A_206 : memref<128xi32, #tpu.memory_space<vmem>>) semaphore(%arg22 : memref<!tpu.dma_semaphore, #tpu.memory_space<semaphore_mem>>)
      %dma_wait3A_210 = arith.constant 2 : i32
      %dma_wait3A_211 = arith.constant 0 : i32
      %dma_wait3A_212 = arith.constant 0 : i32
      %dma_wait3A_213 = tpu.memref_slice %arg9[%dma_wait3A_210, %dma_wait3A_211, %dma_wait3A_212] : memref<4x2x128xi32, #tpu.memory_space<vmem>> -> memref<1x1x128xi32, #tpu.memory_space<vmem>>
      %dma_wait3A_214 = tpu.memref_squeeze %dma_wait3A_213 : memref<1x1x128xi32, #tpu.memory_space<vmem>> -> memref<128xi32, #tpu.memory_space<vmem>>
      %dma_wait3A_215 = arith.constant 0 : i32
      %dma_wait3A_216 = arith.constant 0 : i32
      %dma_wait3A_217 = tpu.memref_slice %arg18[%dma_wait3A_215, %dma_wait3A_216] : memref<10112x64xf32, #tpu.memory_space<vmem_shared>> -> memref<10112x64xf32, #tpu.memory_space<vmem_shared>>
      tpu.wait_indirect_dma semaphore(%arg21 : memref<!tpu.dma_semaphore, #tpu.memory_space<semaphore_mem>>) src(%dma_wait3A_217 : memref<10112x64xf32, #tpu.memory_space<vmem_shared>>) dst(%arg13 : memref<128x64xf32, #tpu.memory_space<vmem>>)
      %dma_start3A_218 = arith.constant 2 : i32
      %dma_start3A_219 = arith.constant 1 : i32
      %dma_start3A_220 = arith.constant 0 : i32
      %dma_start3A_221 = tpu.memref_slice %arg9[%dma_start3A_218, %dma_start3A_219, %dma_start3A_220] : memref<4x2x128xi32, #tpu.memory_space<vmem>> -> memref<1x1x128xi32, #tpu.memory_space<vmem>>
      %dma_start3A_222 = tpu.memref_squeeze %dma_start3A_221 : memref<1x1x128xi32, #tpu.memory_space<vmem>> -> memref<128xi32, #tpu.memory_space<vmem>>
      %dma_start3A_223 = arith.constant 0 : i32
      %dma_start3A_224 = arith.constant 0 : i32
      %dma_start3A_225 = tpu.memref_slice %arg16[%dma_start3A_223, %dma_start3A_224] : memref<10112x64xf32, #tpu.memory_space<vmem_shared>> -> memref<10112x64xf32, #tpu.memory_space<vmem_shared>>
      tpu.enqueue_indirect_dma source(%arg13 : memref<128x64xf32, #tpu.memory_space<vmem>>) target(%dma_start3A_225 : memref<10112x64xf32, #tpu.memory_space<vmem_shared>>) offsets(%dma_start3A_222 : memref<128xi32, #tpu.memory_space<vmem>>) semaphore(%arg25 : memref<!tpu.dma_semaphore, #tpu.memory_space<semaphore_mem>>) {add = true}
      %eq3A_226 = arith.constant 0 : i32
      %eq3A_227 = arith.cmpi eq, %arg0, %eq3A_226 : i32
      %convert_element_type3A_228 = arith.extui %eq3A_227 : i1 to i32
      %cond3A_229 = arith.constant 0 : i32
      %cond3A_230 = arith.cmpi ne, %convert_element_type3A_228, %cond3A_229 : i32
      scf.if %cond3A_230 {
        %dma_start3A_425 = arith.constant 2 : i32
        %dma_start3A_426 = arith.constant 1 : i32
        %dma_start3A_427 = arith.constant 0 : i32
        %dma_start3A_428 = tpu.memref_slice %arg9[%dma_start3A_425, %dma_start3A_426, %dma_start3A_427] : memref<4x2x128xi32, #tpu.memory_space<vmem>> -> memref<1x1x128xi32, #tpu.memory_space<vmem>>
        %dma_start3A_429 = tpu.memref_squeeze %dma_start3A_428 : memref<1x1x128xi32, #tpu.memory_space<vmem>> -> memref<128xi32, #tpu.memory_space<vmem>>
        %dma_start3A_430 = arith.constant 0 : i32
        %dma_start3A_431 = tpu.memref_slice %arg17[%dma_start3A_430] : memref<10112xf32, #tpu.memory_space<vmem_shared>> -> memref<10112xf32, #tpu.memory_space<vmem_shared>>
        tpu.enqueue_indirect_dma source(%arg15 : memref<128xf32, #tpu.memory_space<vmem>>) target(%dma_start3A_431 : memref<10112xf32, #tpu.memory_space<vmem_shared>>) offsets(%dma_start3A_429 : memref<128xi32, #tpu.memory_space<vmem>>) semaphore(%arg25 : memref<!tpu.dma_semaphore, #tpu.memory_space<semaphore_mem>>) {add = true}
      } else {
      }
      %mul3A_231 = arith.constant 8 : i32
      %mul3A_232 = arith.muli %scan3A_102, %mul3A_231 : i32
      %add3A_233 = arith.addi %mul3A_0, %mul3A_232 : i32
      %add3A_234 = arith.constant 4 : i32
      %add3A_235 = arith.addi %add3A_233, %add3A_234 : i32
      %dma_start3A_236 = arith.constant 0 : i32
      %dma_start3A_237 = arith.constant 0 : i32
      %dma_start3A_238 = tpu.memref_slice %arg3[%add3A_235, %dma_start3A_236, %dma_start3A_237] : memref<2560x2x128xi32, #tpu.memory_space<hbm>> -> memref<4x2x128xi32, #tpu.memory_space<hbm>>
      %dma_start3A_239 = arith.constant 0 : i32
      %dma_start3A_240 = arith.constant 0 : i32
      %dma_start3A_241 = tpu.memref_slice %arg3[%add3A_235, %dma_start3A_239, %dma_start3A_240] : memref<2560x2x128xi32, #tpu.memory_space<hbm>> -> memref<4x2x128xi32, #tpu.memory_space<hbm>>
      tpu.enqueue_dma source(%dma_start3A_241 : memref<4x2x128xi32, #tpu.memory_space<hbm>>) target(%arg10 : memref<4x2x128xi32, #tpu.memory_space<vmem>>) target_semaphore(%arg28 : memref<!tpu.dma_semaphore, #tpu.memory_space<semaphore_mem>>)
      %dma_wait3A_242 = arith.constant 0 : i32
      %dma_wait3A_243 = arith.constant 1 : i32
      %dma_wait3A_244 = arith.constant 0 : i32
      %dma_wait3A_245 = tpu.memref_slice %arg10[%dma_wait3A_242, %dma_wait3A_243, %dma_wait3A_244] : memref<4x2x128xi32, #tpu.memory_space<vmem>> -> memref<1x1x128xi32, #tpu.memory_space<vmem>>
      %dma_wait3A_246 = tpu.memref_squeeze %dma_wait3A_245 : memref<1x1x128xi32, #tpu.memory_space<vmem>> -> memref<128xi32, #tpu.memory_space<vmem>>
      %dma_wait3A_247 = arith.constant 0 : i32
      %dma_wait3A_248 = arith.constant 0 : i32
      %dma_wait3A_249 = tpu.memref_slice %arg16[%dma_wait3A_247, %dma_wait3A_248] : memref<10112x64xf32, #tpu.memory_space<vmem_shared>> -> memref<10112x64xf32, #tpu.memory_space<vmem_shared>>
      tpu.wait_indirect_dma semaphore(%arg23 : memref<!tpu.dma_semaphore, #tpu.memory_space<semaphore_mem>>) src(%arg11 : memref<128x64xf32, #tpu.memory_space<vmem>>) dst(%dma_wait3A_249 : memref<10112x64xf32, #tpu.memory_space<vmem_shared>>)
      %eq3A_250 = arith.constant 0 : i32
      %eq3A_251 = arith.cmpi eq, %arg0, %eq3A_250 : i32
      %convert_element_type3A_252 = arith.extui %eq3A_251 : i1 to i32
      %cond3A_253 = arith.constant 0 : i32
      %cond3A_254 = arith.cmpi ne, %convert_element_type3A_252, %cond3A_253 : i32
      scf.if %cond3A_254 {
        %dma_wait3A_425 = arith.constant 0 : i32
        %dma_wait3A_426 = arith.constant 1 : i32
        %dma_wait3A_427 = arith.constant 0 : i32
        %dma_wait3A_428 = tpu.memref_slice %arg10[%dma_wait3A_425, %dma_wait3A_426, %dma_wait3A_427] : memref<4x2x128xi32, #tpu.memory_space<vmem>> -> memref<1x1x128xi32, #tpu.memory_space<vmem>>
        %dma_wait3A_429 = tpu.memref_squeeze %dma_wait3A_428 : memref<1x1x128xi32, #tpu.memory_space<vmem>> -> memref<128xi32, #tpu.memory_space<vmem>>
        %dma_wait3A_430 = arith.constant 0 : i32
        %dma_wait3A_431 = tpu.memref_slice %arg17[%dma_wait3A_430] : memref<10112xf32, #tpu.memory_space<vmem_shared>> -> memref<10112xf32, #tpu.memory_space<vmem_shared>>
        tpu.wait_indirect_dma semaphore(%arg23 : memref<!tpu.dma_semaphore, #tpu.memory_space<semaphore_mem>>) src(%arg15 : memref<128xf32, #tpu.memory_space<vmem>>) dst(%dma_wait3A_431 : memref<10112xf32, #tpu.memory_space<vmem_shared>>)
      } else {
      }
      %mul3A_255 = arith.constant 8 : i32
      %mul3A_256 = arith.muli %scan3A_102, %mul3A_255 : i32
      %add3A_257 = arith.addi %mul3A_0, %mul3A_256 : i32
      %add3A_258 = arith.constant 4 : i32
      %add3A_259 = arith.addi %add3A_257, %add3A_258 : i32
      %dma_wait3A_260 = arith.constant 0 : i32
      %dma_wait3A_261 = arith.constant 0 : i32
      %dma_wait3A_262 = tpu.memref_slice %arg3[%add3A_259, %dma_wait3A_260, %dma_wait3A_261] : memref<2560x2x128xi32, #tpu.memory_space<hbm>> -> memref<4x2x128xi32, #tpu.memory_space<hbm>>
      %dma_wait3A_263 = arith.constant 0 : i32
      %dma_wait3A_264 = arith.constant 0 : i32
      %dma_wait3A_265 = tpu.memref_slice %arg3[%add3A_259, %dma_wait3A_263, %dma_wait3A_264] : memref<2560x2x128xi32, #tpu.memory_space<hbm>> -> memref<4x2x128xi32, #tpu.memory_space<hbm>>
      tpu.wait_dma2 semaphore(%arg28 : memref<!tpu.dma_semaphore, #tpu.memory_space<semaphore_mem>>) src(%dma_wait3A_265 : memref<4x2x128xi32, #tpu.memory_space<hbm>>) dst(%arg10 : memref<4x2x128xi32, #tpu.memory_space<vmem>>)
      %dma_start3A_266 = arith.constant 0 : i32
      %dma_start3A_267 = arith.constant 0 : i32
      %dma_start3A_268 = arith.constant 0 : i32
      %dma_start3A_269 = tpu.memref_slice %arg10[%dma_start3A_266, %dma_start3A_267, %dma_start3A_268] : memref<4x2x128xi32, #tpu.memory_space<vmem>> -> memref<1x1x128xi32, #tpu.memory_space<vmem>>
      %dma_start3A_270 = tpu.memref_squeeze %dma_start3A_269 : memref<1x1x128xi32, #tpu.memory_space<vmem>> -> memref<128xi32, #tpu.memory_space<vmem>>
      %dma_start3A_271 = arith.constant 0 : i32
      %dma_start3A_272 = arith.constant 0 : i32
      %dma_start3A_273 = tpu.memref_slice %arg18[%dma_start3A_271, %dma_start3A_272] : memref<10112x64xf32, #tpu.memory_space<vmem_shared>> -> memref<10112x64xf32, #tpu.memory_space<vmem_shared>>
      tpu.enqueue_indirect_dma source(%dma_start3A_273 : memref<10112x64xf32, #tpu.memory_space<vmem_shared>>) target(%arg11 : memref<128x64xf32, #tpu.memory_space<vmem>>) offsets(%dma_start3A_270 : memref<128xi32, #tpu.memory_space<vmem>>) semaphore(%arg19 : memref<!tpu.dma_semaphore, #tpu.memory_space<semaphore_mem>>)
      %dma_wait3A_274 = arith.constant 3 : i32
      %dma_wait3A_275 = arith.constant 0 : i32
      %dma_wait3A_276 = arith.constant 0 : i32
      %dma_wait3A_277 = tpu.memref_slice %arg9[%dma_wait3A_274, %dma_wait3A_275, %dma_wait3A_276] : memref<4x2x128xi32, #tpu.memory_space<vmem>> -> memref<1x1x128xi32, #tpu.memory_space<vmem>>
      %dma_wait3A_278 = tpu.memref_squeeze %dma_wait3A_277 : memref<1x1x128xi32, #tpu.memory_space<vmem>> -> memref<128xi32, #tpu.memory_space<vmem>>
      %dma_wait3A_279 = arith.constant 0 : i32
      %dma_wait3A_280 = arith.constant 0 : i32
      %dma_wait3A_281 = tpu.memref_slice %arg18[%dma_wait3A_279, %dma_wait3A_280] : memref<10112x64xf32, #tpu.memory_space<vmem_shared>> -> memref<10112x64xf32, #tpu.memory_space<vmem_shared>>
      tpu.wait_indirect_dma semaphore(%arg22 : memref<!tpu.dma_semaphore, #tpu.memory_space<semaphore_mem>>) src(%dma_wait3A_281 : memref<10112x64xf32, #tpu.memory_space<vmem_shared>>) dst(%arg14 : memref<128x64xf32, #tpu.memory_space<vmem>>)
      %dma_start3A_282 = arith.constant 3 : i32
      %dma_start3A_283 = arith.constant 1 : i32
      %dma_start3A_284 = arith.constant 0 : i32
      %dma_start3A_285 = tpu.memref_slice %arg9[%dma_start3A_282, %dma_start3A_283, %dma_start3A_284] : memref<4x2x128xi32, #tpu.memory_space<vmem>> -> memref<1x1x128xi32, #tpu.memory_space<vmem>>
      %dma_start3A_286 = tpu.memref_squeeze %dma_start3A_285 : memref<1x1x128xi32, #tpu.memory_space<vmem>> -> memref<128xi32, #tpu.memory_space<vmem>>
      %dma_start3A_287 = arith.constant 0 : i32
      %dma_start3A_288 = arith.constant 0 : i32
      %dma_start3A_289 = tpu.memref_slice %arg16[%dma_start3A_287, %dma_start3A_288] : memref<10112x64xf32, #tpu.memory_space<vmem_shared>> -> memref<10112x64xf32, #tpu.memory_space<vmem_shared>>
      tpu.enqueue_indirect_dma source(%arg14 : memref<128x64xf32, #tpu.memory_space<vmem>>) target(%dma_start3A_289 : memref<10112x64xf32, #tpu.memory_space<vmem_shared>>) offsets(%dma_start3A_286 : memref<128xi32, #tpu.memory_space<vmem>>) semaphore(%arg26 : memref<!tpu.dma_semaphore, #tpu.memory_space<semaphore_mem>>) {add = true}
      %eq3A_290 = arith.constant 1 : i32
      %eq3A_291 = arith.cmpi eq, %arg0, %eq3A_290 : i32
      %convert_element_type3A_292 = arith.extui %eq3A_291 : i1 to i32
      %cond3A_293 = arith.constant 0 : i32
      %cond3A_294 = arith.cmpi ne, %convert_element_type3A_292, %cond3A_293 : i32
      scf.if %cond3A_294 {
        %dma_start3A_425 = arith.constant 3 : i32
        %dma_start3A_426 = arith.constant 1 : i32
        %dma_start3A_427 = arith.constant 0 : i32
        %dma_start3A_428 = tpu.memref_slice %arg9[%dma_start3A_425, %dma_start3A_426, %dma_start3A_427] : memref<4x2x128xi32, #tpu.memory_space<vmem>> -> memref<1x1x128xi32, #tpu.memory_space<vmem>>
        %dma_start3A_429 = tpu.memref_squeeze %dma_start3A_428 : memref<1x1x128xi32, #tpu.memory_space<vmem>> -> memref<128xi32, #tpu.memory_space<vmem>>
        %dma_start3A_430 = arith.constant 0 : i32
        %dma_start3A_431 = tpu.memref_slice %arg17[%dma_start3A_430] : memref<10112xf32, #tpu.memory_space<vmem_shared>> -> memref<10112xf32, #tpu.memory_space<vmem_shared>>
        tpu.enqueue_indirect_dma source(%arg15 : memref<128xf32, #tpu.memory_space<vmem>>) target(%dma_start3A_431 : memref<10112xf32, #tpu.memory_space<vmem_shared>>) offsets(%dma_start3A_429 : memref<128xi32, #tpu.memory_space<vmem>>) semaphore(%arg26 : memref<!tpu.dma_semaphore, #tpu.memory_space<semaphore_mem>>) {add = true}
      } else {
      }
      %dma_wait3A_295 = arith.constant 1 : i32
      %dma_wait3A_296 = arith.constant 1 : i32
      %dma_wait3A_297 = arith.constant 0 : i32
      %dma_wait3A_298 = tpu.memref_slice %arg10[%dma_wait3A_295, %dma_wait3A_296, %dma_wait3A_297] : memref<4x2x128xi32, #tpu.memory_space<vmem>> -> memref<1x1x128xi32, #tpu.memory_space<vmem>>
      %dma_wait3A_299 = tpu.memref_squeeze %dma_wait3A_298 : memref<1x1x128xi32, #tpu.memory_space<vmem>> -> memref<128xi32, #tpu.memory_space<vmem>>
      %dma_wait3A_300 = arith.constant 0 : i32
      %dma_wait3A_301 = arith.constant 0 : i32
      %dma_wait3A_302 = tpu.memref_slice %arg16[%dma_wait3A_300, %dma_wait3A_301] : memref<10112x64xf32, #tpu.memory_space<vmem_shared>> -> memref<10112x64xf32, #tpu.memory_space<vmem_shared>>
      tpu.wait_indirect_dma semaphore(%arg24 : memref<!tpu.dma_semaphore, #tpu.memory_space<semaphore_mem>>) src(%arg12 : memref<128x64xf32, #tpu.memory_space<vmem>>) dst(%dma_wait3A_302 : memref<10112x64xf32, #tpu.memory_space<vmem_shared>>)
      %eq3A_303 = arith.constant 1 : i32
      %eq3A_304 = arith.cmpi eq, %arg0, %eq3A_303 : i32
      %convert_element_type3A_305 = arith.extui %eq3A_304 : i1 to i32
      %cond3A_306 = arith.constant 0 : i32
      %cond3A_307 = arith.cmpi ne, %convert_element_type3A_305, %cond3A_306 : i32
      scf.if %cond3A_307 {
        %dma_wait3A_425 = arith.constant 1 : i32
        %dma_wait3A_426 = arith.constant 1 : i32
        %dma_wait3A_427 = arith.constant 0 : i32
        %dma_wait3A_428 = tpu.memref_slice %arg10[%dma_wait3A_425, %dma_wait3A_426, %dma_wait3A_427] : memref<4x2x128xi32, #tpu.memory_space<vmem>> -> memref<1x1x128xi32, #tpu.memory_space<vmem>>
        %dma_wait3A_429 = tpu.memref_squeeze %dma_wait3A_428 : memref<1x1x128xi32, #tpu.memory_space<vmem>> -> memref<128xi32, #tpu.memory_space<vmem>>
        %dma_wait3A_430 = arith.constant 0 : i32
        %dma_wait3A_431 = tpu.memref_slice %arg17[%dma_wait3A_430] : memref<10112xf32, #tpu.memory_space<vmem_shared>> -> memref<10112xf32, #tpu.memory_space<vmem_shared>>
        tpu.wait_indirect_dma semaphore(%arg24 : memref<!tpu.dma_semaphore, #tpu.memory_space<semaphore_mem>>) src(%arg15 : memref<128xf32, #tpu.memory_space<vmem>>) dst(%dma_wait3A_431 : memref<10112xf32, #tpu.memory_space<vmem_shared>>)
      } else {
      }
      %dma_start3A_308 = arith.constant 1 : i32
      %dma_start3A_309 = arith.constant 0 : i32
      %dma_start3A_310 = arith.constant 0 : i32
      %dma_start3A_311 = tpu.memref_slice %arg10[%dma_start3A_308, %dma_start3A_309, %dma_start3A_310] : memref<4x2x128xi32, #tpu.memory_space<vmem>> -> memref<1x1x128xi32, #tpu.memory_space<vmem>>
      %dma_start3A_312 = tpu.memref_squeeze %dma_start3A_311 : memref<1x1x128xi32, #tpu.memory_space<vmem>> -> memref<128xi32, #tpu.memory_space<vmem>>
      %dma_start3A_313 = arith.constant 0 : i32
      %dma_start3A_314 = arith.constant 0 : i32
      %dma_start3A_315 = tpu.memref_slice %arg18[%dma_start3A_313, %dma_start3A_314] : memref<10112x64xf32, #tpu.memory_space<vmem_shared>> -> memref<10112x64xf32, #tpu.memory_space<vmem_shared>>
      tpu.enqueue_indirect_dma source(%dma_start3A_315 : memref<10112x64xf32, #tpu.memory_space<vmem_shared>>) target(%arg12 : memref<128x64xf32, #tpu.memory_space<vmem>>) offsets(%dma_start3A_312 : memref<128xi32, #tpu.memory_space<vmem>>) semaphore(%arg20 : memref<!tpu.dma_semaphore, #tpu.memory_space<semaphore_mem>>)
      %dma_wait3A_316 = arith.constant 0 : i32
      %dma_wait3A_317 = arith.constant 0 : i32
      %dma_wait3A_318 = arith.constant 0 : i32
      %dma_wait3A_319 = tpu.memref_slice %arg10[%dma_wait3A_316, %dma_wait3A_317, %dma_wait3A_318] : memref<4x2x128xi32, #tpu.memory_space<vmem>> -> memref<1x1x128xi32, #tpu.memory_space<vmem>>
      %dma_wait3A_320 = tpu.memref_squeeze %dma_wait3A_319 : memref<1x1x128xi32, #tpu.memory_space<vmem>> -> memref<128xi32, #tpu.memory_space<vmem>>
      %dma_wait3A_321 = arith.constant 0 : i32
      %dma_wait3A_322 = arith.constant 0 : i32
      %dma_wait3A_323 = tpu.memref_slice %arg18[%dma_wait3A_321, %dma_wait3A_322] : memref<10112x64xf32, #tpu.memory_space<vmem_shared>> -> memref<10112x64xf32, #tpu.memory_space<vmem_shared>>
      tpu.wait_indirect_dma semaphore(%arg19 : memref<!tpu.dma_semaphore, #tpu.memory_space<semaphore_mem>>) src(%dma_wait3A_323 : memref<10112x64xf32, #tpu.memory_space<vmem_shared>>) dst(%arg11 : memref<128x64xf32, #tpu.memory_space<vmem>>)
      %dma_start3A_324 = arith.constant 0 : i32
      %dma_start3A_325 = arith.constant 1 : i32
      %dma_start3A_326 = arith.constant 0 : i32
      %dma_start3A_327 = tpu.memref_slice %arg10[%dma_start3A_324, %dma_start3A_325, %dma_start3A_326] : memref<4x2x128xi32, #tpu.memory_space<vmem>> -> memref<1x1x128xi32, #tpu.memory_space<vmem>>
      %dma_start3A_328 = tpu.memref_squeeze %dma_start3A_327 : memref<1x1x128xi32, #tpu.memory_space<vmem>> -> memref<128xi32, #tpu.memory_space<vmem>>
      %dma_start3A_329 = arith.constant 0 : i32
      %dma_start3A_330 = arith.constant 0 : i32
      %dma_start3A_331 = tpu.memref_slice %arg16[%dma_start3A_329, %dma_start3A_330] : memref<10112x64xf32, #tpu.memory_space<vmem_shared>> -> memref<10112x64xf32, #tpu.memory_space<vmem_shared>>
      tpu.enqueue_indirect_dma source(%arg11 : memref<128x64xf32, #tpu.memory_space<vmem>>) target(%dma_start3A_331 : memref<10112x64xf32, #tpu.memory_space<vmem_shared>>) offsets(%dma_start3A_328 : memref<128xi32, #tpu.memory_space<vmem>>) semaphore(%arg23 : memref<!tpu.dma_semaphore, #tpu.memory_space<semaphore_mem>>) {add = true}
      %eq3A_332 = arith.constant 0 : i32
      %eq3A_333 = arith.cmpi eq, %arg0, %eq3A_332 : i32
      %convert_element_type3A_334 = arith.extui %eq3A_333 : i1 to i32
      %cond3A_335 = arith.constant 0 : i32
      %cond3A_336 = arith.cmpi ne, %convert_element_type3A_334, %cond3A_335 : i32
      scf.if %cond3A_336 {
        %dma_start3A_425 = arith.constant 0 : i32
        %dma_start3A_426 = arith.constant 1 : i32
        %dma_start3A_427 = arith.constant 0 : i32
        %dma_start3A_428 = tpu.memref_slice %arg10[%dma_start3A_425, %dma_start3A_426, %dma_start3A_427] : memref<4x2x128xi32, #tpu.memory_space<vmem>> -> memref<1x1x128xi32, #tpu.memory_space<vmem>>
        %dma_start3A_429 = tpu.memref_squeeze %dma_start3A_428 : memref<1x1x128xi32, #tpu.memory_space<vmem>> -> memref<128xi32, #tpu.memory_space<vmem>>
        %dma_start3A_430 = arith.constant 0 : i32
        %dma_start3A_431 = tpu.memref_slice %arg17[%dma_start3A_430] : memref<10112xf32, #tpu.memory_space<vmem_shared>> -> memref<10112xf32, #tpu.memory_space<vmem_shared>>
        tpu.enqueue_indirect_dma source(%arg15 : memref<128xf32, #tpu.memory_space<vmem>>) target(%dma_start3A_431 : memref<10112xf32, #tpu.memory_space<vmem_shared>>) offsets(%dma_start3A_429 : memref<128xi32, #tpu.memory_space<vmem>>) semaphore(%arg23 : memref<!tpu.dma_semaphore, #tpu.memory_space<semaphore_mem>>) {add = true}
      } else {
      }
      %dma_wait3A_337 = arith.constant 2 : i32
      %dma_wait3A_338 = arith.constant 1 : i32
      %dma_wait3A_339 = arith.constant 0 : i32
      %dma_wait3A_340 = tpu.memref_slice %arg10[%dma_wait3A_337, %dma_wait3A_338, %dma_wait3A_339] : memref<4x2x128xi32, #tpu.memory_space<vmem>> -> memref<1x1x128xi32, #tpu.memory_space<vmem>>
      %dma_wait3A_341 = tpu.memref_squeeze %dma_wait3A_340 : memref<1x1x128xi32, #tpu.memory_space<vmem>> -> memref<128xi32, #tpu.memory_space<vmem>>
      %dma_wait3A_342 = arith.constant 0 : i32
      %dma_wait3A_343 = arith.constant 0 : i32
      %dma_wait3A_344 = tpu.memref_slice %arg16[%dma_wait3A_342, %dma_wait3A_343] : memref<10112x64xf32, #tpu.memory_space<vmem_shared>> -> memref<10112x64xf32, #tpu.memory_space<vmem_shared>>
      tpu.wait_indirect_dma semaphore(%arg25 : memref<!tpu.dma_semaphore, #tpu.memory_space<semaphore_mem>>) src(%arg13 : memref<128x64xf32, #tpu.memory_space<vmem>>) dst(%dma_wait3A_344 : memref<10112x64xf32, #tpu.memory_space<vmem_shared>>)
      %eq3A_345 = arith.constant 0 : i32
      %eq3A_346 = arith.cmpi eq, %arg0, %eq3A_345 : i32
      %convert_element_type3A_347 = arith.extui %eq3A_346 : i1 to i32
      %cond3A_348 = arith.constant 0 : i32
      %cond3A_349 = arith.cmpi ne, %convert_element_type3A_347, %cond3A_348 : i32
      scf.if %cond3A_349 {
        %dma_wait3A_425 = arith.constant 2 : i32
        %dma_wait3A_426 = arith.constant 1 : i32
        %dma_wait3A_427 = arith.constant 0 : i32
        %dma_wait3A_428 = tpu.memref_slice %arg10[%dma_wait3A_425, %dma_wait3A_426, %dma_wait3A_427] : memref<4x2x128xi32, #tpu.memory_space<vmem>> -> memref<1x1x128xi32, #tpu.memory_space<vmem>>
        %dma_wait3A_429 = tpu.memref_squeeze %dma_wait3A_428 : memref<1x1x128xi32, #tpu.memory_space<vmem>> -> memref<128xi32, #tpu.memory_space<vmem>>
        %dma_wait3A_430 = arith.constant 0 : i32
        %dma_wait3A_431 = tpu.memref_slice %arg17[%dma_wait3A_430] : memref<10112xf32, #tpu.memory_space<vmem_shared>> -> memref<10112xf32, #tpu.memory_space<vmem_shared>>
        tpu.wait_indirect_dma semaphore(%arg25 : memref<!tpu.dma_semaphore, #tpu.memory_space<semaphore_mem>>) src(%arg15 : memref<128xf32, #tpu.memory_space<vmem>>) dst(%dma_wait3A_431 : memref<10112xf32, #tpu.memory_space<vmem_shared>>)
      } else {
      }
      %dma_start3A_350 = arith.constant 2 : i32
      %dma_start3A_351 = arith.constant 0 : i32
      %dma_start3A_352 = arith.constant 0 : i32
      %dma_start3A_353 = tpu.memref_slice %arg10[%dma_start3A_350, %dma_start3A_351, %dma_start3A_352] : memref<4x2x128xi32, #tpu.memory_space<vmem>> -> memref<1x1x128xi32, #tpu.memory_space<vmem>>
      %dma_start3A_354 = tpu.memref_squeeze %dma_start3A_353 : memref<1x1x128xi32, #tpu.memory_space<vmem>> -> memref<128xi32, #tpu.memory_space<vmem>>
      %dma_start3A_355 = arith.constant 0 : i32
      %dma_start3A_356 = arith.constant 0 : i32
      %dma_start3A_357 = tpu.memref_slice %arg18[%dma_start3A_355, %dma_start3A_356] : memref<10112x64xf32, #tpu.memory_space<vmem_shared>> -> memref<10112x64xf32, #tpu.memory_space<vmem_shared>>
      tpu.enqueue_indirect_dma source(%dma_start3A_357 : memref<10112x64xf32, #tpu.memory_space<vmem_shared>>) target(%arg13 : memref<128x64xf32, #tpu.memory_space<vmem>>) offsets(%dma_start3A_354 : memref<128xi32, #tpu.memory_space<vmem>>) semaphore(%arg21 : memref<!tpu.dma_semaphore, #tpu.memory_space<semaphore_mem>>)
      %dma_wait3A_358 = arith.constant 1 : i32
      %dma_wait3A_359 = arith.constant 0 : i32
      %dma_wait3A_360 = arith.constant 0 : i32
      %dma_wait3A_361 = tpu.memref_slice %arg10[%dma_wait3A_358, %dma_wait3A_359, %dma_wait3A_360] : memref<4x2x128xi32, #tpu.memory_space<vmem>> -> memref<1x1x128xi32, #tpu.memory_space<vmem>>
      %dma_wait3A_362 = tpu.memref_squeeze %dma_wait3A_361 : memref<1x1x128xi32, #tpu.memory_space<vmem>> -> memref<128xi32, #tpu.memory_space<vmem>>
      %dma_wait3A_363 = arith.constant 0 : i32
      %dma_wait3A_364 = arith.constant 0 : i32
      %dma_wait3A_365 = tpu.memref_slice %arg18[%dma_wait3A_363, %dma_wait3A_364] : memref<10112x64xf32, #tpu.memory_space<vmem_shared>> -> memref<10112x64xf32, #tpu.memory_space<vmem_shared>>
      tpu.wait_indirect_dma semaphore(%arg20 : memref<!tpu.dma_semaphore, #tpu.memory_space<semaphore_mem>>) src(%dma_wait3A_365 : memref<10112x64xf32, #tpu.memory_space<vmem_shared>>) dst(%arg12 : memref<128x64xf32, #tpu.memory_space<vmem>>)
      %dma_start3A_366 = arith.constant 1 : i32
      %dma_start3A_367 = arith.constant 1 : i32
      %dma_start3A_368 = arith.constant 0 : i32
      %dma_start3A_369 = tpu.memref_slice %arg10[%dma_start3A_366, %dma_start3A_367, %dma_start3A_368] : memref<4x2x128xi32, #tpu.memory_space<vmem>> -> memref<1x1x128xi32, #tpu.memory_space<vmem>>
      %dma_start3A_370 = tpu.memref_squeeze %dma_start3A_369 : memref<1x1x128xi32, #tpu.memory_space<vmem>> -> memref<128xi32, #tpu.memory_space<vmem>>
      %dma_start3A_371 = arith.constant 0 : i32
      %dma_start3A_372 = arith.constant 0 : i32
      %dma_start3A_373 = tpu.memref_slice %arg16[%dma_start3A_371, %dma_start3A_372] : memref<10112x64xf32, #tpu.memory_space<vmem_shared>> -> memref<10112x64xf32, #tpu.memory_space<vmem_shared>>
      tpu.enqueue_indirect_dma source(%arg12 : memref<128x64xf32, #tpu.memory_space<vmem>>) target(%dma_start3A_373 : memref<10112x64xf32, #tpu.memory_space<vmem_shared>>) offsets(%dma_start3A_370 : memref<128xi32, #tpu.memory_space<vmem>>) semaphore(%arg24 : memref<!tpu.dma_semaphore, #tpu.memory_space<semaphore_mem>>) {add = true}
      %eq3A_374 = arith.constant 1 : i32
      %eq3A_375 = arith.cmpi eq, %arg0, %eq3A_374 : i32
      %convert_element_type3A_376 = arith.extui %eq3A_375 : i1 to i32
      %cond3A_377 = arith.constant 0 : i32
      %cond3A_378 = arith.cmpi ne, %convert_element_type3A_376, %cond3A_377 : i32
      scf.if %cond3A_378 {
        %dma_start3A_425 = arith.constant 1 : i32
        %dma_start3A_426 = arith.constant 1 : i32
        %dma_start3A_427 = arith.constant 0 : i32
        %dma_start3A_428 = tpu.memref_slice %arg10[%dma_start3A_425, %dma_start3A_426, %dma_start3A_427] : memref<4x2x128xi32, #tpu.memory_space<vmem>> -> memref<1x1x128xi32, #tpu.memory_space<vmem>>
        %dma_start3A_429 = tpu.memref_squeeze %dma_start3A_428 : memref<1x1x128xi32, #tpu.memory_space<vmem>> -> memref<128xi32, #tpu.memory_space<vmem>>
        %dma_start3A_430 = arith.constant 0 : i32
        %dma_start3A_431 = tpu.memref_slice %arg17[%dma_start3A_430] : memref<10112xf32, #tpu.memory_space<vmem_shared>> -> memref<10112xf32, #tpu.memory_space<vmem_shared>>
        tpu.enqueue_indirect_dma source(%arg15 : memref<128xf32, #tpu.memory_space<vmem>>) target(%dma_start3A_431 : memref<10112xf32, #tpu.memory_space<vmem_shared>>) offsets(%dma_start3A_429 : memref<128xi32, #tpu.memory_space<vmem>>) semaphore(%arg24 : memref<!tpu.dma_semaphore, #tpu.memory_space<semaphore_mem>>) {add = true}
      } else {
      }
      %dma_wait3A_379 = arith.constant 3 : i32
      %dma_wait3A_380 = arith.constant 1 : i32
      %dma_wait3A_381 = arith.constant 0 : i32
      %dma_wait3A_382 = tpu.memref_slice %arg10[%dma_wait3A_379, %dma_wait3A_380, %dma_wait3A_381] : memref<4x2x128xi32, #tpu.memory_space<vmem>> -> memref<1x1x128xi32, #tpu.memory_space<vmem>>
      %dma_wait3A_383 = tpu.memref_squeeze %dma_wait3A_382 : memref<1x1x128xi32, #tpu.memory_space<vmem>> -> memref<128xi32, #tpu.memory_space<vmem>>
      %dma_wait3A_384 = arith.constant 0 : i32
      %dma_wait3A_385 = arith.constant 0 : i32
      %dma_wait3A_386 = tpu.memref_slice %arg16[%dma_wait3A_384, %dma_wait3A_385] : memref<10112x64xf32, #tpu.memory_space<vmem_shared>> -> memref<10112x64xf32, #tpu.memory_space<vmem_shared>>
      tpu.wait_indirect_dma semaphore(%arg26 : memref<!tpu.dma_semaphore, #tpu.memory_space<semaphore_mem>>) src(%arg14 : memref<128x64xf32, #tpu.memory_space<vmem>>) dst(%dma_wait3A_386 : memref<10112x64xf32, #tpu.memory_space<vmem_shared>>)
      %eq3A_387 = arith.constant 1 : i32
      %eq3A_388 = arith.cmpi eq, %arg0, %eq3A_387 : i32
      %convert_element_type3A_389 = arith.extui %eq3A_388 : i1 to i32
      %cond3A_390 = arith.constant 0 : i32
      %cond3A_391 = arith.cmpi ne, %convert_element_type3A_389, %cond3A_390 : i32
      scf.if %cond3A_391 {
        %dma_wait3A_425 = arith.constant 3 : i32
        %dma_wait3A_426 = arith.constant 1 : i32
        %dma_wait3A_427 = arith.constant 0 : i32
        %dma_wait3A_428 = tpu.memref_slice %arg10[%dma_wait3A_425, %dma_wait3A_426, %dma_wait3A_427] : memref<4x2x128xi32, #tpu.memory_space<vmem>> -> memref<1x1x128xi32, #tpu.memory_space<vmem>>
        %dma_wait3A_429 = tpu.memref_squeeze %dma_wait3A_428 : memref<1x1x128xi32, #tpu.memory_space<vmem>> -> memref<128xi32, #tpu.memory_space<vmem>>
        %dma_wait3A_430 = arith.constant 0 : i32
        %dma_wait3A_431 = tpu.memref_slice %arg17[%dma_wait3A_430] : memref<10112xf32, #tpu.memory_space<vmem_shared>> -> memref<10112xf32, #tpu.memory_space<vmem_shared>>
        tpu.wait_indirect_dma semaphore(%arg26 : memref<!tpu.dma_semaphore, #tpu.memory_space<semaphore_mem>>) src(%arg15 : memref<128xf32, #tpu.memory_space<vmem>>) dst(%dma_wait3A_431 : memref<10112xf32, #tpu.memory_space<vmem_shared>>)
      } else {
      }
      %dma_start3A_392 = arith.constant 3 : i32
      %dma_start3A_393 = arith.constant 0 : i32
      %dma_start3A_394 = arith.constant 0 : i32
      %dma_start3A_395 = tpu.memref_slice %arg10[%dma_start3A_392, %dma_start3A_393, %dma_start3A_394] : memref<4x2x128xi32, #tpu.memory_space<vmem>> -> memref<1x1x128xi32, #tpu.memory_space<vmem>>
      %dma_start3A_396 = tpu.memref_squeeze %dma_start3A_395 : memref<1x1x128xi32, #tpu.memory_space<vmem>> -> memref<128xi32, #tpu.memory_space<vmem>>
      %dma_start3A_397 = arith.constant 0 : i32
      %dma_start3A_398 = arith.constant 0 : i32
      %dma_start3A_399 = tpu.memref_slice %arg18[%dma_start3A_397, %dma_start3A_398] : memref<10112x64xf32, #tpu.memory_space<vmem_shared>> -> memref<10112x64xf32, #tpu.memory_space<vmem_shared>>
      tpu.enqueue_indirect_dma source(%dma_start3A_399 : memref<10112x64xf32, #tpu.memory_space<vmem_shared>>) target(%arg14 : memref<128x64xf32, #tpu.memory_space<vmem>>) offsets(%dma_start3A_396 : memref<128xi32, #tpu.memory_space<vmem>>) semaphore(%arg22 : memref<!tpu.dma_semaphore, #tpu.memory_space<semaphore_mem>>)
      %dma_wait3A_400 = arith.constant 2 : i32
      %dma_wait3A_401 = arith.constant 0 : i32
      %dma_wait3A_402 = arith.constant 0 : i32
      %dma_wait3A_403 = tpu.memref_slice %arg10[%dma_wait3A_400, %dma_wait3A_401, %dma_wait3A_402] : memref<4x2x128xi32, #tpu.memory_space<vmem>> -> memref<1x1x128xi32, #tpu.memory_space<vmem>>
      %dma_wait3A_404 = tpu.memref_squeeze %dma_wait3A_403 : memref<1x1x128xi32, #tpu.memory_space<vmem>> -> memref<128xi32, #tpu.memory_space<vmem>>
      %dma_wait3A_405 = arith.constant 0 : i32
      %dma_wait3A_406 = arith.constant 0 : i32
      %dma_wait3A_407 = tpu.memref_slice %arg18[%dma_wait3A_405, %dma_wait3A_406] : memref<10112x64xf32, #tpu.memory_space<vmem_shared>> -> memref<10112x64xf32, #tpu.memory_space<vmem_shared>>
      tpu.wait_indirect_dma semaphore(%arg21 : memref<!tpu.dma_semaphore, #tpu.memory_space<semaphore_mem>>) src(%dma_wait3A_407 : memref<10112x64xf32, #tpu.memory_space<vmem_shared>>) dst(%arg13 : memref<128x64xf32, #tpu.memory_space<vmem>>)
      %dma_start3A_408 = arith.constant 2 : i32
      %dma_start3A_409 = arith.constant 1 : i32
      %dma_start3A_410 = arith.constant 0 : i32
      %dma_start3A_411 = tpu.memref_slice %arg10[%dma_start3A_408, %dma_start3A_409, %dma_start3A_410] : memref<4x2x128xi32, #tpu.memory_space<vmem>> -> memref<1x1x128xi32, #tpu.memory_space<vmem>>
      %dma_start3A_412 = tpu.memref_squeeze %dma_start3A_411 : memref<1x1x128xi32, #tpu.memory_space<vmem>> -> memref<128xi32, #tpu.memory_space<vmem>>
      %dma_start3A_413 = arith.constant 0 : i32
      %dma_start3A_414 = arith.constant 0 : i32
      %dma_start3A_415 = tpu.memref_slice %arg16[%dma_start3A_413, %dma_start3A_414] : memref<10112x64xf32, #tpu.memory_space<vmem_shared>> -> memref<10112x64xf32, #tpu.memory_space<vmem_shared>>
      tpu.enqueue_indirect_dma source(%arg13 : memref<128x64xf32, #tpu.memory_space<vmem>>) target(%dma_start3A_415 : memref<10112x64xf32, #tpu.memory_space<vmem_shared>>) offsets(%dma_start3A_412 : memref<128xi32, #tpu.memory_space<vmem>>) semaphore(%arg25 : memref<!tpu.dma_semaphore, #tpu.memory_space<semaphore_mem>>) {add = true}
      %eq3A_416 = arith.constant 0 : i32
      %eq3A_417 = arith.cmpi eq, %arg0, %eq3A_416 : i32
      %convert_element_type3A_418 = arith.extui %eq3A_417 : i1 to i32
      %cond3A_419 = arith.constant 0 : i32
      %cond3A_420 = arith.cmpi ne, %convert_element_type3A_418, %cond3A_419 : i32
      scf.if %cond3A_420 {
        %dma_start3A_425 = arith.constant 2 : i32
        %dma_start3A_426 = arith.constant 1 : i32
        %dma_start3A_427 = arith.constant 0 : i32
        %dma_start3A_428 = tpu.memref_slice %arg10[%dma_start3A_425, %dma_start3A_426, %dma_start3A_427] : memref<4x2x128xi32, #tpu.memory_space<vmem>> -> memref<1x1x128xi32, #tpu.memory_space<vmem>>
        %dma_start3A_429 = tpu.memref_squeeze %dma_start3A_428 : memref<1x1x128xi32, #tpu.memory_space<vmem>> -> memref<128xi32, #tpu.memory_space<vmem>>
        %dma_start3A_430 = arith.constant 0 : i32
        %dma_start3A_431 = tpu.memref_slice %arg17[%dma_start3A_430] : memref<10112xf32, #tpu.memory_space<vmem_shared>> -> memref<10112xf32, #tpu.memory_space<vmem_shared>>
        tpu.enqueue_indirect_dma source(%arg15 : memref<128xf32, #tpu.memory_space<vmem>>) target(%dma_start3A_431 : memref<10112xf32, #tpu.memory_space<vmem_shared>>) offsets(%dma_start3A_429 : memref<128xi32, #tpu.memory_space<vmem>>) semaphore(%arg25 : memref<!tpu.dma_semaphore, #tpu.memory_space<semaphore_mem>>) {add = true}
      } else {
      }
      %lt3A = arith.constant 19 : i32
      %lt3A_421 = arith.cmpi slt, %scan3A_102, %lt3A : i32
      %convert_element_type3A_422 = arith.extui %lt3A_421 : i1 to i32
      %cond3A_423 = arith.constant 0 : i32
      %cond3A_424 = arith.cmpi ne, %convert_element_type3A_422, %cond3A_423 : i32
      scf.if %cond3A_424 {
        %add3A_425 = arith.constant 1 : i32
        %add3A_426 = arith.addi %scan3A_102, %add3A_425 : i32
        %mul3A_427 = arith.constant 8 : i32
        %mul3A_428 = arith.muli %add3A_426, %mul3A_427 : i32
        %add3A_429 = arith.addi %mul3A_0, %mul3A_428 : i32
        %dma_start3A_430 = arith.constant 0 : i32
        %dma_start3A_431 = arith.constant 0 : i32
        %dma_start3A_432 = tpu.memref_slice %arg3[%add3A_429, %dma_start3A_430, %dma_start3A_431] : memref<2560x2x128xi32, #tpu.memory_space<hbm>> -> memref<4x2x128xi32, #tpu.memory_space<hbm>>
        %dma_start3A_433 = arith.constant 0 : i32
        %dma_start3A_434 = arith.constant 0 : i32
        %dma_start3A_435 = tpu.memref_slice %arg3[%add3A_429, %dma_start3A_433, %dma_start3A_434] : memref<2560x2x128xi32, #tpu.memory_space<hbm>> -> memref<4x2x128xi32, #tpu.memory_space<hbm>>
        tpu.enqueue_dma source(%dma_start3A_435 : memref<4x2x128xi32, #tpu.memory_space<hbm>>) target(%arg9 : memref<4x2x128xi32, #tpu.memory_space<vmem>>) target_semaphore(%arg27 : memref<!tpu.dma_semaphore, #tpu.memory_space<semaphore_mem>>)
      } else {
      }
    }
    %scan3A_19 = arith.constant 20 : i32
    %dma_wait3A = arith.constant 3 : i32
    %dma_wait3A_20 = arith.constant 0 : i32
    %dma_wait3A_21 = arith.constant 0 : i32
    %dma_wait3A_22 = tpu.memref_slice %arg10[%dma_wait3A, %dma_wait3A_20, %dma_wait3A_21] : memref<4x2x128xi32, #tpu.memory_space<vmem>> -> memref<1x1x128xi32, #tpu.memory_space<vmem>>
    %dma_wait3A_23 = tpu.memref_squeeze %dma_wait3A_22 : memref<1x1x128xi32, #tpu.memory_space<vmem>> -> memref<128xi32, #tpu.memory_space<vmem>>
    %dma_wait3A_24 = arith.constant 0 : i32
    %dma_wait3A_25 = arith.constant 0 : i32
    %dma_wait3A_26 = tpu.memref_slice %arg18[%dma_wait3A_24, %dma_wait3A_25] : memref<10112x64xf32, #tpu.memory_space<vmem_shared>> -> memref<10112x64xf32, #tpu.memory_space<vmem_shared>>
    tpu.wait_indirect_dma semaphore(%arg22 : memref<!tpu.dma_semaphore, #tpu.memory_space<semaphore_mem>>) src(%dma_wait3A_26 : memref<10112x64xf32, #tpu.memory_space<vmem_shared>>) dst(%arg14 : memref<128x64xf32, #tpu.memory_space<vmem>>)
    %dma_start3A_27 = arith.constant 3 : i32
    %dma_start3A_28 = arith.constant 1 : i32
    %dma_start3A_29 = arith.constant 0 : i32
    %dma_start3A_30 = tpu.memref_slice %arg10[%dma_start3A_27, %dma_start3A_28, %dma_start3A_29] : memref<4x2x128xi32, #tpu.memory_space<vmem>> -> memref<1x1x128xi32, #tpu.memory_space<vmem>>
    %dma_start3A_31 = tpu.memref_squeeze %dma_start3A_30 : memref<1x1x128xi32, #tpu.memory_space<vmem>> -> memref<128xi32, #tpu.memory_space<vmem>>
    %dma_start3A_32 = arith.constant 0 : i32
    %dma_start3A_33 = arith.constant 0 : i32
    %dma_start3A_34 = tpu.memref_slice %arg16[%dma_start3A_32, %dma_start3A_33] : memref<10112x64xf32, #tpu.memory_space<vmem_shared>> -> memref<10112x64xf32, #tpu.memory_space<vmem_shared>>
    tpu.enqueue_indirect_dma source(%arg14 : memref<128x64xf32, #tpu.memory_space<vmem>>) target(%dma_start3A_34 : memref<10112x64xf32, #tpu.memory_space<vmem_shared>>) offsets(%dma_start3A_31 : memref<128xi32, #tpu.memory_space<vmem>>) semaphore(%arg26 : memref<!tpu.dma_semaphore, #tpu.memory_space<semaphore_mem>>) {add = true}
    %eq3A_35 = arith.constant 1 : i32
    %eq3A_36 = arith.cmpi eq, %arg0, %eq3A_35 : i32
    %convert_element_type3A_37 = arith.extui %eq3A_36 : i1 to i32
    %cond3A_38 = arith.constant 0 : i32
    %cond3A_39 = arith.cmpi ne, %convert_element_type3A_37, %cond3A_38 : i32
    scf.if %cond3A_39 {
      %dma_start3A_102 = arith.constant 3 : i32
      %dma_start3A_103 = arith.constant 1 : i32
      %dma_start3A_104 = arith.constant 0 : i32
      %dma_start3A_105 = tpu.memref_slice %arg10[%dma_start3A_102, %dma_start3A_103, %dma_start3A_104] : memref<4x2x128xi32, #tpu.memory_space<vmem>> -> memref<1x1x128xi32, #tpu.memory_space<vmem>>
      %dma_start3A_106 = tpu.memref_squeeze %dma_start3A_105 : memref<1x1x128xi32, #tpu.memory_space<vmem>> -> memref<128xi32, #tpu.memory_space<vmem>>
      %dma_start3A_107 = arith.constant 0 : i32
      %dma_start3A_108 = tpu.memref_slice %arg17[%dma_start3A_107] : memref<10112xf32, #tpu.memory_space<vmem_shared>> -> memref<10112xf32, #tpu.memory_space<vmem_shared>>
      tpu.enqueue_indirect_dma source(%arg15 : memref<128xf32, #tpu.memory_space<vmem>>) target(%dma_start3A_108 : memref<10112xf32, #tpu.memory_space<vmem_shared>>) offsets(%dma_start3A_106 : memref<128xi32, #tpu.memory_space<vmem>>) semaphore(%arg26 : memref<!tpu.dma_semaphore, #tpu.memory_space<semaphore_mem>>) {add = true}
    } else {
    }
    %dma_wait3A_40 = arith.constant 0 : i32
    %dma_wait3A_41 = arith.constant 1 : i32
    %dma_wait3A_42 = arith.constant 0 : i32
    %dma_wait3A_43 = tpu.memref_slice %arg10[%dma_wait3A_40, %dma_wait3A_41, %dma_wait3A_42] : memref<4x2x128xi32, #tpu.memory_space<vmem>> -> memref<1x1x128xi32, #tpu.memory_space<vmem>>
    %dma_wait3A_44 = tpu.memref_squeeze %dma_wait3A_43 : memref<1x1x128xi32, #tpu.memory_space<vmem>> -> memref<128xi32, #tpu.memory_space<vmem>>
    %dma_wait3A_45 = arith.constant 0 : i32
    %dma_wait3A_46 = arith.constant 0 : i32
    %dma_wait3A_47 = tpu.memref_slice %arg16[%dma_wait3A_45, %dma_wait3A_46] : memref<10112x64xf32, #tpu.memory_space<vmem_shared>> -> memref<10112x64xf32, #tpu.memory_space<vmem_shared>>
    tpu.wait_indirect_dma semaphore(%arg23 : memref<!tpu.dma_semaphore, #tpu.memory_space<semaphore_mem>>) src(%arg11 : memref<128x64xf32, #tpu.memory_space<vmem>>) dst(%dma_wait3A_47 : memref<10112x64xf32, #tpu.memory_space<vmem_shared>>)
    %eq3A_48 = arith.constant 0 : i32
    %eq3A_49 = arith.cmpi eq, %arg0, %eq3A_48 : i32
    %convert_element_type3A_50 = arith.extui %eq3A_49 : i1 to i32
    %cond3A_51 = arith.constant 0 : i32
    %cond3A_52 = arith.cmpi ne, %convert_element_type3A_50, %cond3A_51 : i32
    scf.if %cond3A_52 {
      %dma_wait3A_102 = arith.constant 0 : i32
      %dma_wait3A_103 = arith.constant 1 : i32
      %dma_wait3A_104 = arith.constant 0 : i32
      %dma_wait3A_105 = tpu.memref_slice %arg10[%dma_wait3A_102, %dma_wait3A_103, %dma_wait3A_104] : memref<4x2x128xi32, #tpu.memory_space<vmem>> -> memref<1x1x128xi32, #tpu.memory_space<vmem>>
      %dma_wait3A_106 = tpu.memref_squeeze %dma_wait3A_105 : memref<1x1x128xi32, #tpu.memory_space<vmem>> -> memref<128xi32, #tpu.memory_space<vmem>>
      %dma_wait3A_107 = arith.constant 0 : i32
      %dma_wait3A_108 = tpu.memref_slice %arg17[%dma_wait3A_107] : memref<10112xf32, #tpu.memory_space<vmem_shared>> -> memref<10112xf32, #tpu.memory_space<vmem_shared>>
      tpu.wait_indirect_dma semaphore(%arg23 : memref<!tpu.dma_semaphore, #tpu.memory_space<semaphore_mem>>) src(%arg15 : memref<128xf32, #tpu.memory_space<vmem>>) dst(%dma_wait3A_108 : memref<10112xf32, #tpu.memory_space<vmem_shared>>)
    } else {
    }
    %dma_wait3A_53 = arith.constant 0 : i32
    %dma_wait3A_54 = arith.constant 1 : i32
    %dma_wait3A_55 = arith.constant 0 : i32
    %dma_wait3A_56 = tpu.memref_slice %arg10[%dma_wait3A_53, %dma_wait3A_54, %dma_wait3A_55] : memref<4x2x128xi32, #tpu.memory_space<vmem>> -> memref<1x1x128xi32, #tpu.memory_space<vmem>>
    %dma_wait3A_57 = tpu.memref_squeeze %dma_wait3A_56 : memref<1x1x128xi32, #tpu.memory_space<vmem>> -> memref<128xi32, #tpu.memory_space<vmem>>
    %dma_wait3A_58 = arith.constant 0 : i32
    %dma_wait3A_59 = arith.constant 0 : i32
    %dma_wait3A_60 = tpu.memref_slice %arg16[%dma_wait3A_58, %dma_wait3A_59] : memref<10112x64xf32, #tpu.memory_space<vmem_shared>> -> memref<10112x64xf32, #tpu.memory_space<vmem_shared>>
    tpu.wait_indirect_dma semaphore(%arg24 : memref<!tpu.dma_semaphore, #tpu.memory_space<semaphore_mem>>) src(%arg12 : memref<128x64xf32, #tpu.memory_space<vmem>>) dst(%dma_wait3A_60 : memref<10112x64xf32, #tpu.memory_space<vmem_shared>>)
    %eq3A_61 = arith.constant 1 : i32
    %eq3A_62 = arith.cmpi eq, %arg0, %eq3A_61 : i32
    %convert_element_type3A_63 = arith.extui %eq3A_62 : i1 to i32
    %cond3A_64 = arith.constant 0 : i32
    %cond3A_65 = arith.cmpi ne, %convert_element_type3A_63, %cond3A_64 : i32
    scf.if %cond3A_65 {
      %dma_wait3A_102 = arith.constant 0 : i32
      %dma_wait3A_103 = arith.constant 1 : i32
      %dma_wait3A_104 = arith.constant 0 : i32
      %dma_wait3A_105 = tpu.memref_slice %arg10[%dma_wait3A_102, %dma_wait3A_103, %dma_wait3A_104] : memref<4x2x128xi32, #tpu.memory_space<vmem>> -> memref<1x1x128xi32, #tpu.memory_space<vmem>>
      %dma_wait3A_106 = tpu.memref_squeeze %dma_wait3A_105 : memref<1x1x128xi32, #tpu.memory_space<vmem>> -> memref<128xi32, #tpu.memory_space<vmem>>
      %dma_wait3A_107 = arith.constant 0 : i32
      %dma_wait3A_108 = tpu.memref_slice %arg17[%dma_wait3A_107] : memref<10112xf32, #tpu.memory_space<vmem_shared>> -> memref<10112xf32, #tpu.memory_space<vmem_shared>>
      tpu.wait_indirect_dma semaphore(%arg24 : memref<!tpu.dma_semaphore, #tpu.memory_space<semaphore_mem>>) src(%arg15 : memref<128xf32, #tpu.memory_space<vmem>>) dst(%dma_wait3A_108 : memref<10112xf32, #tpu.memory_space<vmem_shared>>)
    } else {
    }
    %dma_wait3A_66 = arith.constant 0 : i32
    %dma_wait3A_67 = arith.constant 1 : i32
    %dma_wait3A_68 = arith.constant 0 : i32
    %dma_wait3A_69 = tpu.memref_slice %arg10[%dma_wait3A_66, %dma_wait3A_67, %dma_wait3A_68] : memref<4x2x128xi32, #tpu.memory_space<vmem>> -> memref<1x1x128xi32, #tpu.memory_space<vmem>>
    %dma_wait3A_70 = tpu.memref_squeeze %dma_wait3A_69 : memref<1x1x128xi32, #tpu.memory_space<vmem>> -> memref<128xi32, #tpu.memory_space<vmem>>
    %dma_wait3A_71 = arith.constant 0 : i32
    %dma_wait3A_72 = arith.constant 0 : i32
    %dma_wait3A_73 = tpu.memref_slice %arg16[%dma_wait3A_71, %dma_wait3A_72] : memref<10112x64xf32, #tpu.memory_space<vmem_shared>> -> memref<10112x64xf32, #tpu.memory_space<vmem_shared>>
    tpu.wait_indirect_dma semaphore(%arg25 : memref<!tpu.dma_semaphore, #tpu.memory_space<semaphore_mem>>) src(%arg13 : memref<128x64xf32, #tpu.memory_space<vmem>>) dst(%dma_wait3A_73 : memref<10112x64xf32, #tpu.memory_space<vmem_shared>>)
    %eq3A_74 = arith.constant 0 : i32
    %eq3A_75 = arith.cmpi eq, %arg0, %eq3A_74 : i32
    %convert_element_type3A_76 = arith.extui %eq3A_75 : i1 to i32
    %cond3A_77 = arith.constant 0 : i32
    %cond3A_78 = arith.cmpi ne, %convert_element_type3A_76, %cond3A_77 : i32
    scf.if %cond3A_78 {
      %dma_wait3A_102 = arith.constant 0 : i32
      %dma_wait3A_103 = arith.constant 1 : i32
      %dma_wait3A_104 = arith.constant 0 : i32
      %dma_wait3A_105 = tpu.memref_slice %arg10[%dma_wait3A_102, %dma_wait3A_103, %dma_wait3A_104] : memref<4x2x128xi32, #tpu.memory_space<vmem>> -> memref<1x1x128xi32, #tpu.memory_space<vmem>>
      %dma_wait3A_106 = tpu.memref_squeeze %dma_wait3A_105 : memref<1x1x128xi32, #tpu.memory_space<vmem>> -> memref<128xi32, #tpu.memory_space<vmem>>
      %dma_wait3A_107 = arith.constant 0 : i32
      %dma_wait3A_108 = tpu.memref_slice %arg17[%dma_wait3A_107] : memref<10112xf32, #tpu.memory_space<vmem_shared>> -> memref<10112xf32, #tpu.memory_space<vmem_shared>>
      tpu.wait_indirect_dma semaphore(%arg25 : memref<!tpu.dma_semaphore, #tpu.memory_space<semaphore_mem>>) src(%arg15 : memref<128xf32, #tpu.memory_space<vmem>>) dst(%dma_wait3A_108 : memref<10112xf32, #tpu.memory_space<vmem_shared>>)
    } else {
    }
    %dma_wait3A_79 = arith.constant 0 : i32
    %dma_wait3A_80 = arith.constant 1 : i32
    %dma_wait3A_81 = arith.constant 0 : i32
    %dma_wait3A_82 = tpu.memref_slice %arg10[%dma_wait3A_79, %dma_wait3A_80, %dma_wait3A_81] : memref<4x2x128xi32, #tpu.memory_space<vmem>> -> memref<1x1x128xi32, #tpu.memory_space<vmem>>
    %dma_wait3A_83 = tpu.memref_squeeze %dma_wait3A_82 : memref<1x1x128xi32, #tpu.memory_space<vmem>> -> memref<128xi32, #tpu.memory_space<vmem>>
    %dma_wait3A_84 = arith.constant 0 : i32
    %dma_wait3A_85 = arith.constant 0 : i32
    %dma_wait3A_86 = tpu.memref_slice %arg16[%dma_wait3A_84, %dma_wait3A_85] : memref<10112x64xf32, #tpu.memory_space<vmem_shared>> -> memref<10112x64xf32, #tpu.memory_space<vmem_shared>>
    tpu.wait_indirect_dma semaphore(%arg26 : memref<!tpu.dma_semaphore, #tpu.memory_space<semaphore_mem>>) src(%arg14 : memref<128x64xf32, #tpu.memory_space<vmem>>) dst(%dma_wait3A_86 : memref<10112x64xf32, #tpu.memory_space<vmem_shared>>)
    %eq3A_87 = arith.constant 1 : i32
    %eq3A_88 = arith.cmpi eq, %arg0, %eq3A_87 : i32
    %convert_element_type3A_89 = arith.extui %eq3A_88 : i1 to i32
    %cond3A_90 = arith.constant 0 : i32
    %cond3A_91 = arith.cmpi ne, %convert_element_type3A_89, %cond3A_90 : i32
    scf.if %cond3A_91 {
      %dma_wait3A_102 = arith.constant 0 : i32
      %dma_wait3A_103 = arith.constant 1 : i32
      %dma_wait3A_104 = arith.constant 0 : i32
      %dma_wait3A_105 = tpu.memref_slice %arg10[%dma_wait3A_102, %dma_wait3A_103, %dma_wait3A_104] : memref<4x2x128xi32, #tpu.memory_space<vmem>> -> memref<1x1x128xi32, #tpu.memory_space<vmem>>
      %dma_wait3A_106 = tpu.memref_squeeze %dma_wait3A_105 : memref<1x1x128xi32, #tpu.memory_space<vmem>> -> memref<128xi32, #tpu.memory_space<vmem>>
      %dma_wait3A_107 = arith.constant 0 : i32
      %dma_wait3A_108 = tpu.memref_slice %arg17[%dma_wait3A_107] : memref<10112xf32, #tpu.memory_space<vmem_shared>> -> memref<10112xf32, #tpu.memory_space<vmem_shared>>
      tpu.wait_indirect_dma semaphore(%arg26 : memref<!tpu.dma_semaphore, #tpu.memory_space<semaphore_mem>>) src(%arg15 : memref<128xf32, #tpu.memory_space<vmem>>) dst(%dma_wait3A_108 : memref<10112xf32, #tpu.memory_space<vmem_shared>>)
    } else {
    }
    %barrier3A_92 = arith.constant 0 : index
    tpu.barrier barrier_id(%barrier3A_92)
    %mul3A_93 = arith.constant 632 : i32
    %mul3A_94 = arith.muli %arg1, %mul3A_93 : i32
    %mul3A_95 = arith.constant 632 : i32
    %mul3A_96 = arith.muli %arg1, %mul3A_95 : i32
    "tpu.region"() ({
      %run_scoped3A = tpu.sem_alloc : memref<!tpu.dma_semaphore, #tpu.memory_space<semaphore_mem>>
      %dma_start3A_102 = arith.constant 0 : i32
      %dma_start3A_103 = arith.constant 0 : i32
      %dma_start3A_104 = tpu.memref_slice %arg7[%arg0, %dma_start3A_102, %dma_start3A_103] : memref<2x10112x64xf32, #tpu.memory_space<hbm>> -> memref<1x10112x64xf32, #tpu.memory_space<hbm>>
      %dma_start3A_105 = tpu.memref_squeeze %dma_start3A_104 : memref<1x10112x64xf32, #tpu.memory_space<hbm>> -> memref<10112x64xf32, #tpu.memory_space<hbm>>
      %dma_start3A_106 = arith.constant 0 : i32
      %dma_start3A_107 = tpu.memref_slice %dma_start3A_105[%mul3A_96, %dma_start3A_106] : memref<10112x64xf32, #tpu.memory_space<hbm>> -> memref<632x64xf32, #tpu.memory_space<hbm>>
      %dma_start3A_108 = arith.constant 0 : i32
      %dma_start3A_109 = tpu.memref_slice %arg16[%mul3A_94, %dma_start3A_108] : memref<10112x64xf32, #tpu.memory_space<vmem_shared>> -> memref<632x64xf32, #tpu.memory_space<vmem_shared>>
      tpu.enqueue_dma source(%dma_start3A_109 : memref<632x64xf32, #tpu.memory_space<vmem_shared>>) target(%dma_start3A_107 : memref<632x64xf32, #tpu.memory_space<hbm>>) target_semaphore(%run_scoped3A : memref<!tpu.dma_semaphore, #tpu.memory_space<semaphore_mem>>)
      %dma_wait3A_110 = arith.constant 0 : i32
      %dma_wait3A_111 = arith.constant 0 : i32
      %dma_wait3A_112 = tpu.memref_slice %arg7[%arg0, %dma_wait3A_110, %dma_wait3A_111] : memref<2x10112x64xf32, #tpu.memory_space<hbm>> -> memref<1x10112x64xf32, #tpu.memory_space<hbm>>
      %dma_wait3A_113 = tpu.memref_squeeze %dma_wait3A_112 : memref<1x10112x64xf32, #tpu.memory_space<hbm>> -> memref<10112x64xf32, #tpu.memory_space<hbm>>
      %dma_wait3A_114 = arith.constant 0 : i32
      %dma_wait3A_115 = tpu.memref_slice %dma_wait3A_113[%mul3A_96, %dma_wait3A_114] : memref<10112x64xf32, #tpu.memory_space<hbm>> -> memref<632x64xf32, #tpu.memory_space<hbm>>
      %dma_wait3A_116 = arith.constant 0 : i32
      %dma_wait3A_117 = tpu.memref_slice %arg16[%mul3A_94, %dma_wait3A_116] : memref<10112x64xf32, #tpu.memory_space<vmem_shared>> -> memref<632x64xf32, #tpu.memory_space<vmem_shared>>
      tpu.wait_dma2 semaphore(%run_scoped3A : memref<!tpu.dma_semaphore, #tpu.memory_space<semaphore_mem>>) src(%dma_wait3A_117 : memref<632x64xf32, #tpu.memory_space<vmem_shared>>) dst(%dma_wait3A_115 : memref<632x64xf32, #tpu.memory_space<hbm>>)
      tpu.yield
    }) : () -> ()
    %eq3A_97 = arith.constant 0 : i32
    %eq3A_98 = arith.cmpi eq, %arg1, %eq3A_97 : i32
    %convert_element_type3A_99 = arith.extui %eq3A_98 : i1 to i32
    %cond3A_100 = arith.constant 0 : i32
    %cond3A_101 = arith.cmpi ne, %convert_element_type3A_99, %cond3A_100 : i32
    scf.if %cond3A_101 {
      "tpu.region"() ({
        %run_scoped3A = tpu.sem_alloc : memref<!tpu.dma_semaphore, #tpu.memory_space<semaphore_mem>>
        %dma_start3A_102 = arith.constant 0 : i32
        %dma_start3A_103 = tpu.memref_slice %arg8[%arg0, %dma_start3A_102] : memref<2x10112xf32, #tpu.memory_space<hbm>> -> memref<1x10112xf32, #tpu.memory_space<hbm>>
        %dma_start3A_104 = tpu.memref_squeeze %dma_start3A_103 : memref<1x10112xf32, #tpu.memory_space<hbm>> -> memref<10112xf32, #tpu.memory_space<hbm>>
        tpu.enqueue_dma source(%arg17 : memref<10112xf32, #tpu.memory_space<vmem_shared>>) target(%dma_start3A_104 : memref<10112xf32, #tpu.memory_space<hbm>>) target_semaphore(%run_scoped3A : memref<!tpu.dma_semaphore, #tpu.memory_space<semaphore_mem>>)
        %dma_wait3A_105 = arith.constant 0 : i32
        %dma_wait3A_106 = tpu.memref_slice %arg8[%arg0, %dma_wait3A_105] : memref<2x10112xf32, #tpu.memory_space<hbm>> -> memref<1x10112xf32, #tpu.memory_space<hbm>>
        %dma_wait3A_107 = tpu.memref_squeeze %dma_wait3A_106 : memref<1x10112xf32, #tpu.memory_space<hbm>> -> memref<10112xf32, #tpu.memory_space<hbm>>
        tpu.wait_dma2 semaphore(%run_scoped3A : memref<!tpu.dma_semaphore, #tpu.memory_space<semaphore_mem>>) src(%arg17 : memref<10112xf32, #tpu.memory_space<vmem_shared>>) dst(%dma_wait3A_107 : memref<10112xf32, #tpu.memory_space<hbm>>)
        tpu.yield
      }) : () -> ()
    } else {
    }
    return
  }
}

module attributes {stable_mosaic.version = 14 : i64} {
  func.func @_pre_body(%arg0: i32, %arg1: memref<2000x128xf32, #tpu.memory_space<vmem>>, %arg2: memref<128x128xf32, #tpu.memory_space<vmem>>, %arg3: memref<1x128xf32, #tpu.memory_space<vmem>>, %arg4: memref<2x512x128xi32, #tpu.memory_space<vmem>>, %arg5: memref<2x2000x64xf32, #tpu.memory_space<vmem>>, %arg6: memref<2000x128xf32, #tpu.memory_space<vmem>>, %arg7: memref<512x2x128xi32, #tpu.memory_space<vmem>>) attributes {dimension_semantics = [#tpu.dimension_semantics<arbitrary>], iteration_bounds = array<i64: 5>, scalar_prefetch = 0 : i64, scratch_operands = 0 : i64, tpu.core_type = #tpu.core_type<tc>, window_params = [{transform_indices = @transform_0, window_bounds = array<i64: 2000, 128>}, {pipeline_mode = #tpu.pipeline_mode<synchronous>, transform_indices = @transform_1, window_bounds = array<i64: 128, 128>}, {pipeline_mode = #tpu.pipeline_mode<synchronous>, transform_indices = @transform_2, window_bounds = array<i64: 1, 128>}, {transform_indices = @transform_3, window_bounds = array<i64: 2, 512, 128>}, {transform_indices = @transform_4, window_bounds = array<i64: 2, 2000, 64>}, {transform_indices = @transform_5, window_bounds = array<i64: 2000, 128>}, {transform_indices = @transform_6, window_bounds = array<i64: 512, 2, 128>}]} {
    %get3A = arith.constant 0 : index
    %get3A_0 = arith.constant 0 : index
    %get3A_1 = vector.load %arg1[%get3A, %get3A_0] : memref<2000x128xf32, #tpu.memory_space<vmem>>, vector<2000x128xf32>
    %mul3A = arith.mulf %get3A_1, %get3A_1 : vector<2000x128xf32>
    %reduce_sum3A = arith.constant dense<0.000000e+00> : vector<2000xf32>
    %reduce_sum3A_2 = vector.multi_reduction <add>, %mul3A, %reduce_sum3A [1] : vector<2000x128xf32> to vector<2000xf32>
    %broadcast_in_dim3A = vector.shape_cast %reduce_sum3A_2 : vector<2000xf32> to vector<2000x1xf32>
    %add3A = arith.constant 1.000000e+00 : f32
    %add3A_3 = vector.broadcast %add3A : f32 to vector<2000x1xf32>
    %add3A_4 = arith.addf %add3A_3, %broadcast_in_dim3A : vector<2000x1xf32>
    %sqrt3A = math.sqrt %add3A_4 : vector<2000x1xf32>
    %max3A = arith.constant 1.00000012 : f32
    %max3A_5 = vector.broadcast %max3A : f32 to vector<2000x1xf32>
    %max3A_6 = arith.maximumf %sqrt3A, %max3A_5 : vector<2000x1xf32>
    %mul3A_7 = arith.mulf %max3A_6, %max3A_6 : vector<2000x1xf32>
    %sub3A = arith.constant 1.000000e+00 : f32
    %sub3A_8 = vector.broadcast %sub3A : f32 to vector<2000x1xf32>
    %sub3A_9 = arith.subf %mul3A_7, %sub3A_8 : vector<2000x1xf32>
    %sqrt3A_10 = math.sqrt %sub3A_9 : vector<2000x1xf32>
    %add3A_11 = arith.addf %max3A_6, %sqrt3A_10 : vector<2000x1xf32>
    %log3A = math.log %add3A_11 : vector<2000x1xf32>
    %sqrt3A_12 = math.sqrt %broadcast_in_dim3A : vector<2000x1xf32>
    %max3A_13 = arith.constant 1.000000e-07 : f32
    %max3A_14 = vector.broadcast %max3A_13 : f32 to vector<2000x1xf32>
    %max3A_15 = arith.maximumf %sqrt3A_12, %max3A_14 : vector<2000x1xf32>
    %div3A = arith.divf %log3A, %max3A_15 : vector<2000x1xf32>
    %mul3A_16 = vector.broadcast %div3A : vector<2000x1xf32> to vector<2000x128xf32>
    %mul3A_17 = arith.mulf %mul3A_16, %get3A_1 : vector<2000x128xf32>
    %slice3A = vector.extract_strided_slice %mul3A_17 {offsets = [0, 0], sizes = [2000, 64], strides = [1, 1]} : vector<2000x128xf32> to vector<2000x64xf32>
    %swap3A = arith.constant 0 : index
    %swap3A_18 = arith.constant 0 : index
    %swap3A_19 = arith.constant 0 : index
    %swap3A_20 = vector.load %arg5[%swap3A, %swap3A_18, %swap3A_19] : memref<2x2000x64xf32, #tpu.memory_space<vmem>>, vector<1x2000x64xf32>
    %swap3A_21 = vector.shape_cast %swap3A_20 : vector<1x2000x64xf32> to vector<2000x64xf32>
    %swap3A_22 = vector.shape_cast %slice3A : vector<2000x64xf32> to vector<1x2000x64xf32>
    tpu.vector_store %arg5[%swap3A, %swap3A_18, %swap3A_19], %swap3A_22 {strides = array<i32>} : memref<2x2000x64xf32, #tpu.memory_space<vmem>>, vector<1x2000x64xf32>,
    %slice3A_23 = vector.extract_strided_slice %mul3A_17 {offsets = [0, 64], sizes = [2000, 64], strides = [1, 1]} : vector<2000x128xf32> to vector<2000x64xf32>
    %swap3A_24 = arith.constant 1 : index
    %swap3A_25 = arith.constant 0 : index
    %swap3A_26 = arith.constant 0 : index
    %swap3A_27 = vector.load %arg5[%swap3A_24, %swap3A_25, %swap3A_26] : memref<2x2000x64xf32, #tpu.memory_space<vmem>>, vector<1x2000x64xf32>
    %swap3A_28 = vector.shape_cast %swap3A_27 : vector<1x2000x64xf32> to vector<2000x64xf32>
    %swap3A_29 = vector.shape_cast %slice3A_23 : vector<2000x64xf32> to vector<1x2000x64xf32>
    tpu.vector_store %arg5[%swap3A_24, %swap3A_25, %swap3A_26], %swap3A_29 {strides = array<i32>} : memref<2x2000x64xf32, #tpu.memory_space<vmem>>, vector<1x2000x64xf32>,
    %get3A_30 = arith.constant 0 : index
    %get3A_31 = arith.constant 0 : index
    %get3A_32 = vector.load %arg2[%get3A_30, %get3A_31] : memref<128x128xf32, #tpu.memory_space<vmem>>, vector<128x128xf32>
    %dot_general3A = arith.constant dense<0.000000e+00> : vector<2000x128xf32>
    %dot_general3A_33 = tpu.matmul %mul3A_17, %get3A_32, %dot_general3A {dimension_numbers = #tpu.dot_dimension_numbers<[1], [1], [0], [0], [0, 0, 1, 0], [], []>, transpose_lhs_hint = false} : vector<2000x128xf32>, vector<128x128xf32>, vector<2000x128xf32> -> vector<2000x128xf32>
    %get3A_34 = arith.constant 0 : index
    %get3A_35 = arith.constant 0 : index
    %get3A_36 = vector.load %arg3[%get3A_34, %get3A_35] : memref<1x128xf32, #tpu.memory_space<vmem>>, vector<1x128xf32>
    %add3A_37 = vector.broadcast %get3A_36 : vector<1x128xf32> to vector<2000x128xf32>
    %add3A_38 = arith.addf %dot_general3A_33, %add3A_37 : vector<2000x128xf32>
    %swap3A_39 = arith.constant 0 : index
    %swap3A_40 = arith.constant 0 : index
    %swap3A_41 = vector.load %arg6[%swap3A_39, %swap3A_40] : memref<2000x128xf32, #tpu.memory_space<vmem>>, vector<2000x128xf32>
    tpu.vector_store %arg6[%swap3A_39, %swap3A_40], %add3A_38 {strides = array<i32>} : memref<2000x128xf32, #tpu.memory_space<vmem>>, vector<2000x128xf32>,
    %mul3A_42 = arith.constant 512 : i32
    %mul3A_43 = arith.muli %arg0, %mul3A_42 : i32
    %iota3A = tpu.iota {dimensions = array<i32: 0>} : vector<512x128xi32>
    %add3A_44 = vector.broadcast %mul3A_43 : i32 to vector<512x128xi32>
    %add3A_45 = arith.addi %add3A_44, %iota3A : vector<512x128xi32>
    %lt3A = arith.constant 2500 : i32
    %lt3A_46 = vector.broadcast %lt3A : i32 to vector<512x128xi32>
    %lt3A_47 = arith.cmpi slt, %add3A_45, %lt3A_46 : vector<512x128xi32>
    %get3A_48 = arith.constant 1 : index
    %get3A_49 = arith.constant 0 : index
    %get3A_50 = arith.constant 0 : index
    %get3A_51 = vector.load %arg4[%get3A_48, %get3A_49, %get3A_50] : memref<2x512x128xi32, #tpu.memory_space<vmem>>, vector<1x512x128xi32>
    %get3A_52 = vector.shape_cast %get3A_51 : vector<1x512x128xi32> to vector<512x128xi32>
    %jit3A = arith.constant 0 : i32
    %broadcast_in_dim3A_53 = vector.broadcast %jit3A : i32 to vector<512x128xi32>
    %select_n3A = arith.select %lt3A_47, %get3A_52, %broadcast_in_dim3A_53 : vector<512x128xi1>, vector<512x128xi32>
    %swap3A_54 = arith.constant 0 : index
    %swap3A_55 = arith.constant 0 : index
    %swap3A_56 = arith.constant 0 : index
    %swap3A_57 = vector.load %arg7[%swap3A_54, %swap3A_55, %swap3A_56] : memref<512x2x128xi32, #tpu.memory_space<vmem>>, vector<512x1x128xi32>
    %swap3A_58 = vector.shape_cast %swap3A_57 : vector<512x1x128xi32> to vector<512x128xi32>
    %swap3A_59 = vector.shape_cast %select_n3A : vector<512x128xi32> to vector<512x1x128xi32>
    tpu.vector_store %arg7[%swap3A_54, %swap3A_55, %swap3A_56], %swap3A_59 {strides = array<i32>} : memref<512x2x128xi32, #tpu.memory_space<vmem>>, vector<512x1x128xi32>,
    %get3A_60 = arith.constant 0 : index
    %get3A_61 = arith.constant 0 : index
    %get3A_62 = arith.constant 0 : index
    %get3A_63 = vector.load %arg4[%get3A_60, %get3A_61, %get3A_62] : memref<2x512x128xi32, #tpu.memory_space<vmem>>, vector<1x512x128xi32>
    %get3A_64 = vector.shape_cast %get3A_63 : vector<1x512x128xi32> to vector<512x128xi32>
    %jit3A_65 = arith.constant 10000 : i32
    %broadcast_in_dim3A_66 = vector.broadcast %jit3A_65 : i32 to vector<512x128xi32>
    %select_n3A_67 = arith.select %lt3A_47, %get3A_64, %broadcast_in_dim3A_66 : vector<512x128xi1>, vector<512x128xi32>
    %swap3A_68 = arith.constant 0 : index
    %swap3A_69 = arith.constant 1 : index
    %swap3A_70 = arith.constant 0 : index
    %swap3A_71 = vector.load %arg7[%swap3A_68, %swap3A_69, %swap3A_70] : memref<512x2x128xi32, #tpu.memory_space<vmem>>, vector<512x1x128xi32>
    %swap3A_72 = vector.shape_cast %swap3A_71 : vector<512x1x128xi32> to vector<512x128xi32>
    %swap3A_73 = vector.shape_cast %select_n3A_67 : vector<512x128xi32> to vector<512x1x128xi32>
    tpu.vector_store %arg7[%swap3A_68, %swap3A_69, %swap3A_70], %swap3A_73 {strides = array<i32>} : memref<512x2x128xi32, #tpu.memory_space<vmem>>, vector<512x1x128xi32>,
    return
  }
  func.func @transform_0(%arg0: i32) -> (i32, i32) {
    %c0_i32 = arith.constant 0 : i32
    %c0_i32_0 = arith.constant 0 : i32
    return %arg0, %c0_i32 : i32, i32
  }
  func.func @transform_1(%arg0: i32) -> (i32, i32) {
    %c0_i32 = arith.constant 0 : i32
    %c0_i32_0 = arith.constant 0 : i32
    %c0_i32_1 = arith.constant 0 : i32
    return %c0_i32, %c0_i32_0 : i32, i32
  }
  func.func @transform_2(%arg0: i32) -> (i32, i32) {
    %c0_i32 = arith.constant 0 : i32
    %c0_i32_0 = arith.constant 0 : i32
    %c0_i32_1 = arith.constant 0 : i32
    return %c0_i32, %c0_i32_0 : i32, i32
  }
  func.func @transform_3(%arg0: i32) -> (i32, i32, i32) {
    %c0_i32 = arith.constant 0 : i32
    %c0_i32_0 = arith.constant 0 : i32
    %c0_i32_1 = arith.constant 0 : i32
    return %c0_i32, %arg0, %c0_i32_0 : i32, i32, i32
  }
  func.func @transform_4(%arg0: i32) -> (i32, i32, i32) {
    %c0_i32 = arith.constant 0 : i32
    %c0_i32_0 = arith.constant 0 : i32
    %c0_i32_1 = arith.constant 0 : i32
    return %c0_i32, %arg0, %c0_i32_0 : i32, i32, i32
  }
  func.func @transform_5(%arg0: i32) -> (i32, i32) {
    %c0_i32 = arith.constant 0 : i32
    %c0_i32_0 = arith.constant 0 : i32
    return %arg0, %c0_i32 : i32, i32
  }
  func.func @transform_6(%arg0: i32) -> (i32, i32, i32) {
    %c0_i32 = arith.constant 0 : i32
    %c0_i32_0 = arith.constant 0 : i32
    %c0_i32_1 = arith.constant 0 : i32
    return %arg0, %c0_i32, %c0_i32_0 : i32, i32, i32
  }
}

module attributes {stable_mosaic.version = 14 : i64} {
  func.func @_post_body(%arg0: i32, %arg1: memref<2x2000x64xf32, #tpu.memory_space<vmem>>, %arg2: memref<2000x1xf32, #tpu.memory_space<vmem>>, %arg3: memref<2000x1xf32, #tpu.memory_space<vmem>>, %arg4: memref<2000x128xf32, #tpu.memory_space<vmem>>, %arg5: memref<128x128xf32, #tpu.memory_space<vmem>>, %arg6: memref<1x128xf32, #tpu.memory_space<vmem>>, %arg7: memref<2000x129xf32, #tpu.memory_space<vmem>>) attributes {dimension_semantics = [#tpu.dimension_semantics<arbitrary>], iteration_bounds = array<i64: 5>, scalar_prefetch = 0 : i64, scratch_operands = 0 : i64, tpu.core_type = #tpu.core_type<tc>, window_params = [{transform_indices = @transform_0, window_bounds = array<i64: 2, 2000, 64>}, {transform_indices = @transform_1, window_bounds = array<i64: 2000, 1>}, {transform_indices = @transform_2, window_bounds = array<i64: 2000, 1>}, {transform_indices = @transform_3, window_bounds = array<i64: 2000, 128>}, {pipeline_mode = #tpu.pipeline_mode<synchronous>, transform_indices = @transform_4, window_bounds = array<i64: 128, 128>}, {pipeline_mode = #tpu.pipeline_mode<synchronous>, transform_indices = @transform_5, window_bounds = array<i64: 1, 128>}, {transform_indices = @transform_6, window_bounds = array<i64: 2000, 129>}]} {
    %get3A = arith.constant 0 : index
    %get3A_0 = arith.constant 0 : index
    %get3A_1 = arith.constant 0 : index
    %get3A_2 = vector.load %arg1[%get3A, %get3A_0, %get3A_1] : memref<2x2000x64xf32, #tpu.memory_space<vmem>>, vector<1x2000x64xf32>
    %get3A_3 = vector.shape_cast %get3A_2 : vector<1x2000x64xf32> to vector<2000x64xf32>
    %get3A_4 = arith.constant 1 : index
    %get3A_5 = arith.constant 0 : index
    %get3A_6 = arith.constant 0 : index
    %get3A_7 = vector.load %arg1[%get3A_4, %get3A_5, %get3A_6] : memref<2x2000x64xf32, #tpu.memory_space<vmem>>, vector<1x2000x64xf32>
    %get3A_8 = vector.shape_cast %get3A_7 : vector<1x2000x64xf32> to vector<2000x64xf32>
    %concatenate3A = tpu.concatenate %get3A_3, %get3A_8 in 1 : vector<2000x64xf32>, vector<2000x64xf32> -> vector<2000x128xf32>
    %get3A_9 = arith.constant 0 : index
    %get3A_10 = arith.constant 0 : index
    %get3A_11 = vector.load %arg2[%get3A_9, %get3A_10] : memref<2000x1xf32, #tpu.memory_space<vmem>>, vector<2000x1xf32>
    %get3A_12 = arith.constant 0 : index
    %get3A_13 = arith.constant 0 : index
    %get3A_14 = vector.load %arg3[%get3A_12, %get3A_13] : memref<2000x1xf32, #tpu.memory_space<vmem>>, vector<2000x1xf32>
    %add3A = arith.addf %get3A_11, %get3A_14 : vector<2000x1xf32>
    %gt3A = arith.constant 0.000000e+00 : f32
    %gt3A_15 = vector.broadcast %gt3A : f32 to vector<2000x1xf32>
    %gt3A_16 = arith.cmpf ogt, %add3A, %gt3A_15 : vector<2000x1xf32>
    %div3A = arith.constant 1.000000e+00 : f32
    %div3A_17 = vector.broadcast %div3A : f32 to vector<2000x1xf32>
    %div3A_18 = arith.divf %div3A_17, %add3A : vector<2000x1xf32>
    %jit3A = arith.constant 0.000000e+00 : f32
    %broadcast_in_dim3A = vector.broadcast %jit3A : f32 to vector<2000x1xf32>
    %select_n3A = arith.select %gt3A_16, %div3A_18, %broadcast_in_dim3A : vector<2000x1xi1>, vector<2000x1xf32>
    %get3A_19 = arith.constant 0 : index
    %get3A_20 = arith.constant 0 : index
    %get3A_21 = vector.load %arg5[%get3A_19, %get3A_20] : memref<128x128xf32, #tpu.memory_space<vmem>>, vector<128x128xf32>
    %dot_general3A = arith.constant dense<0.000000e+00> : vector<2000x128xf32>
    %dot_general3A_22 = tpu.matmul %concatenate3A, %get3A_21, %dot_general3A {dimension_numbers = #tpu.dot_dimension_numbers<[1], [1], [0], [0], [0, 0, 1, 0], [], []>, transpose_lhs_hint = false} : vector<2000x128xf32>, vector<128x128xf32>, vector<2000x128xf32> -> vector<2000x128xf32>
    %mul3A = vector.broadcast %select_n3A : vector<2000x1xf32> to vector<2000x128xf32>
    %mul3A_23 = arith.mulf %dot_general3A_22, %mul3A : vector<2000x128xf32>
    %jit3A_24 = arith.constant 1.000000e+00 : f32
    %jit3A_25 = arith.constant 0.000000e+00 : f32
    %broadcast_in_dim3A_26 = vector.broadcast %jit3A_24 : f32 to vector<2000x1xf32>
    %broadcast_in_dim3A_27 = vector.broadcast %jit3A_25 : f32 to vector<2000x1xf32>
    %select_n3A_28 = arith.select %gt3A_16, %broadcast_in_dim3A_26, %broadcast_in_dim3A_27 : vector<2000x1xi1>, vector<2000x1xf32>
    %get3A_29 = arith.constant 0 : index
    %get3A_30 = arith.constant 0 : index
    %get3A_31 = vector.load %arg6[%get3A_29, %get3A_30] : memref<1x128xf32, #tpu.memory_space<vmem>>, vector<1x128xf32>
    %mul3A_32 = vector.broadcast %select_n3A_28 : vector<2000x1xf32> to vector<2000x128xf32>
    %mul3A_33 = vector.broadcast %get3A_31 : vector<1x128xf32> to vector<2000x128xf32>
    %mul3A_34 = arith.mulf %mul3A_32, %mul3A_33 : vector<2000x128xf32>
    %add3A_35 = arith.addf %mul3A_23, %mul3A_34 : vector<2000x128xf32>
    %get3A_36 = arith.constant 0 : index
    %get3A_37 = arith.constant 0 : index
    %get3A_38 = vector.load %arg4[%get3A_36, %get3A_37] : memref<2000x128xf32, #tpu.memory_space<vmem>>, vector<2000x128xf32>
    %add3A_39 = arith.addf %add3A_35, %get3A_38 : vector<2000x128xf32>
    %mul3A_40 = arith.mulf %add3A_39, %add3A_39 : vector<2000x128xf32>
    %reduce_sum3A = arith.constant dense<0.000000e+00> : vector<2000xf32>
    %reduce_sum3A_41 = vector.multi_reduction <add>, %mul3A_40, %reduce_sum3A [1] : vector<2000x128xf32> to vector<2000xf32>
    %broadcast_in_dim3A_42 = vector.shape_cast %reduce_sum3A_41 : vector<2000xf32> to vector<2000x1xf32>
    %sqrt3A = math.sqrt %broadcast_in_dim3A_42 : vector<2000x1xf32>
    %max3A = arith.constant 1.000000e-07 : f32
    %max3A_43 = vector.broadcast %max3A : f32 to vector<2000x1xf32>
    %max3A_44 = arith.maximumf %sqrt3A, %max3A_43 : vector<2000x1xf32>
    %exp3A = math.exp %max3A_44 : vector<2000x1xf32>
    %div3A_45 = arith.constant 1.000000e+00 : f32
    %div3A_46 = vector.broadcast %div3A_45 : f32 to vector<2000x1xf32>
    %div3A_47 = arith.divf %div3A_46, %exp3A : vector<2000x1xf32>
    %add3A_48 = arith.addf %exp3A, %div3A_47 : vector<2000x1xf32>
    %mul3A_49 = arith.constant 5.000000e-01 : f32
    %mul3A_50 = vector.broadcast %mul3A_49 : f32 to vector<2000x1xf32>
    %mul3A_51 = arith.mulf %mul3A_50, %add3A_48 : vector<2000x1xf32>
    %sub3A = arith.subf %exp3A, %div3A_47 : vector<2000x1xf32>
    %mul3A_52 = arith.constant 5.000000e-01 : f32
    %mul3A_53 = vector.broadcast %mul3A_52 : f32 to vector<2000x1xf32>
    %mul3A_54 = arith.mulf %mul3A_53, %sub3A : vector<2000x1xf32>
    %div3A_55 = arith.divf %mul3A_54, %max3A_44 : vector<2000x1xf32>
    %mul3A_56 = vector.broadcast %div3A_55 : vector<2000x1xf32> to vector<2000x128xf32>
    %mul3A_57 = arith.mulf %mul3A_56, %add3A_39 : vector<2000x128xf32>
    %concatenate3A_58 = tpu.concatenate %mul3A_51, %mul3A_57 in 1 : vector<2000x1xf32>, vector<2000x128xf32> -> vector<2000x129xf32>
    %swap3A = arith.constant 0 : index
    %swap3A_59 = arith.constant 0 : index
    %swap3A_60 = vector.load %arg7[%swap3A, %swap3A_59] : memref<2000x129xf32, #tpu.memory_space<vmem>>, vector<2000x129xf32>
    tpu.vector_store %arg7[%swap3A, %swap3A_59], %concatenate3A_58 {strides = array<i32>} : memref<2000x129xf32, #tpu.memory_space<vmem>>, vector<2000x129xf32>,
    return
  }
  func.func @transform_0(%arg0: i32) -> (i32, i32, i32) {
    %c0_i32 = arith.constant 0 : i32
    %c0_i32_0 = arith.constant 0 : i32
    %c0_i32_1 = arith.constant 0 : i32
    return %c0_i32, %arg0, %c0_i32_0 : i32, i32, i32
  }
  func.func @transform_1(%arg0: i32) -> (i32, i32) {
    %c0_i32 = arith.constant 0 : i32
    %c0_i32_0 = arith.constant 0 : i32
    return %arg0, %c0_i32 : i32, i32
  }
  func.func @transform_2(%arg0: i32) -> (i32, i32) {
    %c0_i32 = arith.constant 0 : i32
    %c0_i32_0 = arith.constant 0 : i32
    return %arg0, %c0_i32 : i32, i32
  }
  func.func @transform_3(%arg0: i32) -> (i32, i32) {
    %c0_i32 = arith.constant 0 : i32
    %c0_i32_0 = arith.constant 0 : i32
    return %arg0, %c0_i32 : i32, i32
  }
  func.func @transform_4(%arg0: i32) -> (i32, i32) {
    %c0_i32 = arith.constant 0 : i32
    %c0_i32_0 = arith.constant 0 : i32
    %c0_i32_1 = arith.constant 0 : i32
    return %c0_i32, %c0_i32_0 : i32, i32
  }
  func.func @transform_5(%arg0: i32) -> (i32, i32) {
    %c0_i32 = arith.constant 0 : i32
    %c0_i32_0 = arith.constant 0 : i32
    %c0_i32_1 = arith.constant 0 : i32
    return %c0_i32, %c0_i32_0 : i32, i32
  }
  func.func @transform_6(%arg0: i32) -> (i32, i32) {
    %c0_i32 = arith.constant 0 : i32
    %c0_i32_0 = arith.constant 0 : i32
    return %arg0, %c0_i32 : i32, i32
  }
}

</mosaic_0001>

<sc_bundles>
// kernel: kernel.5.cloned.1.call-start
scs
__scs_entry_jumppad:
0x0: {  	(pc) =	sbr.rel $0x88, $3  }
0x1: {  	(tag) =	ssettag $0x0;
	lr =	simm.s32 $0x1  }
0x2: {  	[smem:$0x3F9B] =	sst lr;
	_ =	strace $0xD0000000  }
0x3: {  	_ = 	snop  }
0x4: {  	_ = 	snop  }
0x5: {  	_ = 	snop  }
0x6: {  	_ = 	snop  }
0x7: {  	_ = 	snop  }
__scs_overlays_trampoline_lowered:
0x8: {  	[smem:$0x3FAA] =	sst s0  }
0x9: {  	[smem:$0x3FAB] =	sst s1  }
0xa: {  	[smem:$0x3FAC] =	sst s2  }
0xb: {  	[smem:$0x3FAD] =	sst s3  }
0xc: {  	[smem:$0x3FAE] =	sst s4  }
0xd: {  	[smem:$0x3FAF] =	sst s5  }
0xe: {  	[smem:$0x3FB0] =	sst s6  }
0xf: {  	[smem:$0x3FB1] =	sst s7  }
0x10: {  	[smem:$0x3FB2] =	sst s8  }
0x11: {  	[smem:$0x3FB3] =	sst s9;
	s0 =	simm.s32 @!p0 $0x0  }
0x12: {  	s1 =	sld [smem:$0x3F99];
	s0 =	simm.s32 @p0 $0x1  }
0x13: {  	[smem:$0x3FB4] =	sst s0;
	s0 =	simm.s32 @!p1 $0x0  }
0x14: {  	s2 =	sld [smem:$0x3F98];
	s0 =	simm.s32 @p1 $0x1  }
0x15: {  	[smem:$0x3FB5] =	sst s0;
	s0 =	simm.s32 @!p2 $0x0  }
0x16: {  	s3 =	sld [smem:$0x3FDB];
	s0 =	simm.s32 @p2 $0x1  }
0x17: {  	s4 =	simm.s32 $0x1BF5;
	[smem:$0x3FB7] =	sst s0  }
0x18: {  	s0 =	sld [smem:$0x3F9A];
	_ =	swait.ge [sflag:s4], $0x0  }
0x19: {  	s7 =	sld [smem:$0x3F9B]  }
0x1a: {  	s8 =	sadd.s32 $0xFFFFE003, lr  }
0x1b: {  	s9 =	sadd.s32 $0xFFFFFEF7, lr;
	s5 =	simm.s32 $0xFFFFFFFF;
	p2 =	slt.u32 s8, $0xFFFFF086  }
0x1c: {  	p1 =	slt.u32 s9, $0xF7A;
	s5 =	simm.s32 @!p2 $0x0  }
0x1d: {  	s5 =	simm.s32 @p1 $0x1;
	p0 =	seq.s32 s7, s2  }
0x1e: {  	s7 =	smul.u32 @!p0 $0xF7A, s2;
	p2 =	seq.s32 @!p0 s5, $0x0  }
0x1f: {  	s9 =	smul.u32 $0xF7A, s1;
	s8 =	simm.s32 @!p0 $0x1BF5;
	p2 =	por !p2, p0  }
0x20: {  	[sflag:s8] =	ssyncset.s32 @!p0 $0xFFFFF086;
	s6 =	sadd.s32 @!p0 s3, s7;
	s7 =	simm.s32 @!p0 $0x108  }
0x21: {  	s3 =	sadd.s32 s3, s9;
	s6 =	sadd.s32 @!p0 $0x88, s6;
	s7 =	simm.s32 @p2 $0x1082  }
0x22: {  	[simem:s7], [sflag:s8] =	dma.local @!p0 [hbm:s6], $0xF7A  }
0x23: {  	s9 =	sor.u32 $0xD0000000, s2;
	s6 =	simm.s32 $0x108;
	_ =	swait.ge @!p0 [sflag:s8], $0x0  }
0x24: {  	s3 =	sadd.s32 $0x88, s3;
	s6 =	simm.s32 @!p1 $0x1082;
	[sflag:s4] =	ssyncset.s32 $0xFFFFF086  }
0x25: {  	[simem:s6], [sflag:s4] =	dma.local [hbm:s3], $0xF7A  }
0x26: {  	[smem:$0x3F9B] =	sst s1;
	(tag) =	ssettag s2;
	_ =	strace s9  }
0x27: {  	s1 =	sld [smem:$0x3FAB]  }
0x28: {  	s2 =	sld [smem:$0x3FAC]  }
0x29: {  	s4 =	sld [smem:$0x3FAE]  }
0x2a: {  	p0 =	seq.s32 s5, $0x0;
	s5 =	sld [smem:$0x3FAF]  }
0x2b: {  	s6 =	sld [smem:$0x3FB0]  }
0x2c: {  	s7 =	sld [smem:$0x3FB1]  }
0x2d: {  	s3 =	simm.s32 $0x108;
	s8 =	sld [smem:$0x3FB2]  }
0x2e: {  	s3 =	simm.s32 @!p0 $0x1082;
	s9 =	sld [smem:$0x3FB3]  }
0x2f: {  	lr =	sadd.s32 s0, s3;
	s0 =	sld [smem:$0x3FAA]  }
0x30: {  	s3 =	sld [smem:$0x3FAD]  }
0x31: {  	[smem:$0x3FB6] =	sst s10  }
0x32: {  	s10 =	sld [smem:$0x3FB4];
	_ =	sdelay $0x3  }
0x33: {  	p0 =	seq.s32 s10, $0x1;
	s10 =	sld [smem:$0x3FB6];
	_ =	sdelay $0x3  }
0x34: {  	[smem:$0x3FB6] =	sst s10  }
0x35: {  	s10 =	sld [smem:$0x3FB5];
	_ =	sdelay $0x3  }
0x36: {  	p1 =	seq.s32 s10, $0x1;
	s10 =	sld [smem:$0x3FB6];
	_ =	sdelay $0x3  }
0x37: {  	[smem:$0x3FB6] =	sst s10  }
0x38: {  	s10 =	sld [smem:$0x3FB7]  }
0x39: {  	_ = 	snop;
	(pc) =	sbr.ind lr, $3  }
0x3a: {  	_ = 	snop  }
0x3b: {  	_ = 	snop  }
0x3c: {  	p2 =	seq.s32 s10, $0x1;
	s10 =	sld [smem:$0x3FB6]  }
0x3d: {  	_ =	shalt  }
0x3e: {  	_ =	shalt  }
0x3f: {  	_ =	shalt  }
0x40: {  	_ =	shalt  }
0x41: {  	_ =	shalt  }
0x42: {  	_ =	shalt  }
0x43: {  	_ =	shalt  }
0x44: {  	_ =	shalt  }
0x45: {  	_ =	shalt  }
0x46: {  	_ =	shalt  }
0x47: {  	_ =	shalt  }
0x48: {  	_ =	shalt  }
0x49: {  	_ =	shalt  }
0x4a: {  	_ =	shalt  }
0x4b: {  	_ =	shalt  }
0x4c: {  	_ =	shalt  }
0x4d: {  	_ =	shalt  }
0x4e: {  	_ =	shalt  }
0x4f: {  	_ =	shalt  }
0x50: {  	_ =	shalt  }
0x51: {  	_ =	shalt  }
0x52: {  	_ =	shalt  }
0x53: {  	_ =	shalt  }
0x54: {  	_ =	shalt  }
0x55: {  	_ =	shalt  }
0x56: {  	_ =	shalt  }
0x57: {  	_ =	shalt  }
0x58: {  	_ =	shalt  }
0x59: {  	_ =	shalt  }
0x5a: {  	_ =	shalt  }
0x5b: {  	_ =	shalt  }
0x5c: {  	_ =	shalt  }
0x5d: {  	_ =	shalt  }
0x5e: {  	_ =	shalt  }
0x5f: {  	_ =	shalt  }
0x60: {  	_ =	shalt  }
0x61: {  	_ =	shalt  }
0x62: {  	_ =	shalt  }
0x63: {  	_ =	shalt  }
0x64: {  	_ =	shalt  }
0x65: {  	_ =	shalt  }
0x66: {  	_ =	shalt  }
0x67: {  	_ =	shalt  }
0x68: {  	_ =	shalt  }
0x69: {  	_ =	shalt  }
0x6a: {  	_ =	shalt  }
0x6b: {  	_ =	shalt  }
0x6c: {  	_ =	shalt  }
0x6d: {  	_ =	shalt  }
0x6e: {  	_ =	shalt  }
0x6f: {  	_ =	shalt  }
0x70: {  	_ =	shalt  }
0x71: {  	_ =	shalt  }
0x72: {  	_ =	shalt  }
0x73: {  	_ =	shalt  }
0x74: {  	_ =	shalt  }
0x75: {  	_ =	shalt  }
0x76: {  	_ =	shalt  }
0x77: {  	_ =	shalt  }
0x78: {  	_ =	shalt  }
0x79: {  	_ =	shalt  }
0x7a: {  	_ =	shalt  }
0x7b: {  	_ =	shalt  }
0x7c: {  	_ =	shalt  }
0x7d: {  	_ =	shalt  }
0x7e: {  	_ =	shalt  }
0x7f: {  	_ =	shalt  }
0x80: {  	_ =	shalt  }
0x81: {  	_ =	shalt  }
0x82: {  	_ =	shalt  }
0x83: {  	_ =	shalt  }
0x84: {  	_ =	shalt  }
0x85: {  	_ =	shalt  }
0x86: {  	_ =	shalt  }
0x87: {  	_ =	shalt  }
.Lfunc_end0:
.L_simem_size_0:
called_computation_lowered:
.L_overlay_start_0:
0x88: {  	s2 =	sld [smem:$0x3FD9]  }
0x89: {  	s3 =	sld [smem:$0x3FFE];
	_ =	sdelay $0x1  }
0x8a: {  	s1 =	srdreg.scid  }
0x8b: {  	s0 =	sand.u32 $0x1, s1  }
0x8c: {  	s17 =	sshll.u32 s0, $0xA;
	s2 =	sadd.s32 s3, s2  }
0x8d: {  	s2 =	sadd.s32 s2, s17  }
0x8e: {  	[smem:$0x3FC2] =	sst s2  }
0x8f: {  	_ = 	snop  }
0x90: {  	s2 =	sld [smem:$0x3FD0];
	(tm) =	ssettm $0x1  }
0x91: {  	s18 =	sld [smem:$0x3FFB];
	_ =	sdelay $0x3  }
0x92: {  	_ =	strace s18  }
0x93: {  	s3 =	sld [smem:$0x3FFC];
	_ =	sdelay $0x3  }
0x94: {  	_ =	strace s3  }
0x95: {  	s3 =	sld [smem:$0x3FFD];
	_ =	sdelay $0x3  }
0x96: {  	_ =	strace s3  }
0x97: {  	_ =	strace $0x8FFFFFFF  }
0x98: {  	s19 =	sld [smem:$0x3FDB];
	_ =	sdelay $0x1  }
0x99: {  	s4 =	simm.s32 $_scs_section_size  }
0x9a: {  	s5 =	simm.s32 $_size__tile_overlayer_lowered;
	s6 =	simm.s32 $_tile_overlayer_lowered  }
0x9b: {  	s22 =	simm.s32 $0x1BFF;
	s21 =	sshll.u32 s6, $0x1;
	s3 =	sadd.s32 s4, s19  }
0x9c: {  	s7 =	simm.s32 $0x0;
	s20 =	sshll.u32 s5, $0x1;
	s5 =	sadd.s32 s21, s3  }
0x9d: {  	[timem:s7], [sflag:s22] =	dma.local [hbm:s5], s20  }
0x9e: {  	_ =	swait.ge [sflag:s22], s20  }
0x9f: {  	s4 =	ssub.s32 $0x0, s20;
	[sflag:s22] =	ssyncset.done $0x0  }
0xa0: {  	[sflag:s22] =	ssyncadd.s32 s4;
	_ =	sdelay $0x1  }
0xa1: {  	s23 =	simm.s32 $0x1B8B  }
0xa2: {  	_ =	swait.ge [sflag:s23], $0x1  }
0xa3: {  	[sflag:s23] =	ssyncset.done $0x0  }
0xa4: {  	s25 =	simm.s32 $0x1B8E;
	s24 =	sld [smem:$0x3FFE];
	[sflag:s23] =	ssyncadd.s32 $0xFFFFFFFF  }
0xa5: {  	s26 =	simm.s32 $execute0_lowered;
	[smem:$0x3FD2] =	sst s25  }
0xa6: {  	s5 =	sshll.u32 s26, $0x1;
	_ =	strace $0x80000046;
	[dreg:$0x1] =	wrdreg $0xFFFFFFFF  }
0xa7: {  	s28 =	simm.s32 $_size_execute0_lowered;
	s3 =	sadd.s32 s3, s5;
	[dreg:$0x0] =	wrdreg $0x0  }
0xa8: {  	s5 =	sshll.u32 s28, $0x1;
	[dreg:$0x2] =	wrdreg s3  }
0xa9: {  	[dreg:$0x3] =	wrdreg s5  }
0xaa: {  	[dreg:$0x4] =	wrdreg $0xC0  }
0xab: {  	_ =	task [dreg:s7], $0x5FFFF  }
0xac: {  	[dreg:$0x1] =	wrdreg $0xFFFFFFFF  }
0xad: {  	[dreg:$0x0] =	wrdreg $0x60  }
0xae: {  	[dreg:$0x2] =	wrdreg s2  }
0xaf: {  	[dreg:$0x3] =	wrdreg s24  }
0xb0: {  	[dreg:$0x4] =	wrdreg $0x88800  }
0xb1: {  	[dreg:$0x5] =	wrdreg $0x128F80  }
0xb2: {  	[dreg:$0x6] =	wrdreg $0x126800  }
0xb3: {  	[dreg:$0x7] =	wrdreg $0x9  }
0xb4: {  	_ =	task.clear_ibuf [dreg:s7], $0x8FFFF;
	_ =	strace $0x90000046  }
0xb5: {  	s29 =	simm.s32 $0x9;
	_ =	strace $0x80000048  }
0xb6: {  	_ =	swait.ge [sflag:s29], $0x1  }
0xb7: {  	[sflag:s29] =	ssyncadd.s32 $0xFFFFFFFF  }
0xb8: {  	_ =	strace $0x90000048  }
0xb9: {  	_ =	sfence  }
0xba: {  	s30 =	sld [smem:$0x0];
	_ =	sdelay $0x2  }
0xbb: {  	s31 =	sshll.u32 s1, $0xD;
	s1 =	sshrl.u32 s1, $0x2  }
0xbc: {  	s3 =	sand.u32 $0x4000, s31;
	s1 =	sadd.s32 s1, s30  }
0xbd: {  	s0 =	sor.u32 s3, s0;
	s1 =	sshll.u32 s1, $0x11  }
0xbe: {  	s0 =	sor.u32 s1, s0  }
0xbf: {  	s0 =	sadd.s32 $0x8F2B, s0  }
0xc0: {  	[sflag:s0] =	ssyncadd.remote.s32 $0x1  }
0xc1: {  	_ =	sfence.sel $0xFFFF  }
0xc2: {  	[dreg:$0x0] =	wrdreg $0xFFFFFFFF;
	(pc) =	sbr.abs _section_cstart, $3  }
0xc3: {  	[dreg:$0x1] =	wrdreg $0xFFFFFFFF  }
0xc4: {  	_ =	task.clear_ibuf [dreg:s7], $0x2FFFF;
	_ =	strace $0x9FFFFFFF  }
0xc5: {  	(tm) =	ssettm $0x7FFFFFFF  }
tec
execute0_lowered:
.L_overlay_start_1:
0x0: {  	(tag) =	ssettag $0x1  }
0x1: {  	s0 =	rddreg [dreg:$0x0]  }
0x2: {  	s6 =	rddreg [dreg:$0x1]  }
0x3: {  	s1 =	rddreg [dreg:$0x2]  }
0x4: {  	s2 =	rddreg [dreg:$0x3]  }
0x5: {  	s3 =	rddreg [dreg:$0x4];
	s7 =	stileid.u32;
	s4 =	simm.s32 $0x0  }
0x6: {  	s5 =	srdreg.scid;
	s28 =	simm.s32 $0x2;
	s31 =	simm.s32 $0x6800  }
0x7: {  	s16 =	simm.s32 $0x700;
	s8 =	smul.u32 $0x1400, s7;
	[smem:$0x7FF] =	sst s4  }
0x8: {  	s5 =	sand.u32 $0x1, s5;
	s10 =	sadd.s32 $0x2000, s6;
	s19 =	sadd.s32 $0x1A00, s6  }
0x9: {  	s11 =	sadd.s32 $0x1800, s6;
	s12 =	smul.u32 $0x9E00, s7;
	s23 =	sshll.u32 s7, $0x6  }
0xa: {  	p0 =	sne.s32 s7, $0x0;
	_ =	strace $0x80000047;
	[dreg:$0x6] =	wrdreg s10  }
0xb: {  	s7 =	simm.s32 $0x5;
	s9 =	smul.u32 $0x13C00, s5;
	[dreg:$0x7] =	wrdreg s19  }
0xc: {  	s20 =	smul.u32 $0x4F0, s5;
	[dreg:$0x8] =	wrdreg s11;
	s21 =	ssub.s32 $0x2, s5  }
0xd: {  	s17 =	sor.u32 $0x1C0B, s23;
	p1 =	sne.s32 s5, $0x0;
	s19 =	simm.s32 $0x80  }
0xe: {  	s23 =	simm.s32 $0x800;
	p2 =	seq.s32 s5, $0x0;
	s8 =	sadd.s32 s8, s6  }
0xf: {  	s22 =	sshrl.u32 s21, $0x1;
	s14 =	sadd.s32 s12, s1;
	s15 =	sadd.s32 s12, s2  }
0x10: {  	s24 =	sshrl.u32 s12, $0x3;
	s12 =	simm.s32 $0xB;
	[dreg:$0x9] =	wrdreg s17  }
0x11: {  	s13 =	sadd.s32 s9, s6;
	s6 =	sadd.s32 s20, s6;
	s11 =	ssub.s32 s21, s22  }
0x12: {  	s0 =	sadd.s32 s0, s9;
	s10 =	sadd.s32 $0x50800, s8;
	s29 =	sshrl.u32 s15, $0x3  }
0x13: {  	s21 =	simm.s32 $0x2800;
	s6 =	sadd.s32 $0x3400, s6;
	[dreg:$0xe] =	wrdreg s29  }
0x14: {  	s22 =	simm.s32 $0x1;
	s26 =	smax.u32 s11, $0x1;
	[dreg:$0xa] =	wrdreg s6  }
.Ltmp0:
0x15: {  	s0 =	sadd.s32 s24, s0;
	[dreg:$0xb] =	wrdreg s26;
	(pc) =	sbr.rel .LBB2_1-.Ltmp0, $4  }
0x16: {  	s9 =	simm.s32 $0x0;
	s11 =	sshrl.u32 s14, $0x3;
	[dreg:$0xd] =	wrdreg s0  }
0x17: {  	s25 =	sadd.s32 $0x3E00, s13;
	s13 =	sshrl.u32 @!p0 s3, $0x3;
	[dreg:$0xc] =	wrdreg s11  }
0x18: {  	s30 =	sadd.s32 s24, s25;
	s26 =	simm.s32 $0x4800;
	[dreg:$0xf] =	wrdreg s13  }
0x19: {  	s0 =	simm.s32 $0x3;
	s24 =	simm.s32 $0x680;
	[dreg:$0x10] =	wrdreg s30  }
.LBB2_4:
0x1a: {  	s9 =	simm.s32 $0x4  }
0x1b: {  	_ =	swait.ge [sflag:s9], $0x2000  }
0x1c: {  	[sflag:s9] =	ssyncset.done $0x0  }
0x1d: {  	s17 =	simm.s32 $0x780;
	[sflag:s9] =	ssyncadd.s32 $0xFFFFE000  }
0x1e: {  	[spmem:s1] =	stream.indirect.scatter.add.f32 [tilespmem:s31], [sflag:$0x8], $0x40, s17, s19, $0xb8;
	[tilespmem:$0x1C6F8] =	vst v63  }
0x1f: {  	s9 =	simm.s32 @p1 $0x780  }
0x20: {  	[spmem:s3] =	stream.indirect.scatter.add.f32 @p1 [tilespmem:s20], [sflag:$0x8], $0x1, s9, s13, $0xb8;
	[tilespmem:$0x1C6F8] =	vst v63  }
0x21: {  	s9 =	simm.s32 @p1 $0x5  }
0x22: {  	_ =	swait.ge @p1 [sflag:s9], $0x2000  }
0x23: {  	[sflag:s9] =	ssyncset.done @p1 $0x0  }
0x24: {  	[sflag:s9] =	ssyncadd.s32 @p1 $0xFFFFE000  }
0x25: {  	_ =	swait.ge @p1 [sflag:s30], $0x2000  }
0x26: {  	[sflag:s30] =	ssyncset.done @p1 $0x0  }
0x27: {  	[sflag:s30] =	ssyncadd.s32 @p1 $0xFFFFE000  }
0x28: {  	_ =	swait.ge @p1 [sflag:s30], $0x80  }
0x29: {  	[sflag:s30] =	ssyncset.done @p1 $0x0  }
0x2a: {  	[sflag:s30] =	ssyncadd.s32 @p1 $0xFFFFFF80  }
0x2b: {  	_ =	swait.ge @p1 [sflag:s8], $0x2000  }
0x2c: {  	[sflag:s8] =	ssyncset.done @p1 $0x0  }
0x2d: {  	[sflag:s8] =	ssyncadd.s32 @p1 $0xFFFFE000;
	s8 =	simm.s32 @p1 $0x8  }
0x2e: {  	_ =	swait.ge @p1 [sflag:s8], $0x2000  }
0x2f: {  	[sflag:s8] =	ssyncset.done @p1 $0x0  }
0x30: {  	[sflag:s8] =	ssyncadd.s32 @p1 $0xFFFFE000  }
0x31: {  	_ =	swait.ge @p1 [sflag:s8], $0x80  }
0x32: {  	[sflag:s8] =	ssyncset.done @p1 $0x0  }
0x33: {  	[sflag:s8] =	ssyncadd.s32 @p1 $0xFFFFFF80  }
0x34: {  	_ =	swait.ge @!p1 [sflag:s25], $0x2000  }
0x35: {  	[sflag:s25] =	ssyncset.done @!p1 $0x0  }
0x36: {  	[sflag:s25] =	ssyncadd.s32 @!p1 $0xFFFFE000  }
0x37: {  	_ =	swait.ge @!p1 [sflag:s25], $0x80  }
0x38: {  	[sflag:s25] =	ssyncset.done @!p1 $0x0  }
0x39: {  	[sflag:s25] =	ssyncadd.s32 @!p1 $0xFFFFFF80  }
0x3a: {  	_ =	swait.ge @!p1 [sflag:s18], $0x2000  }
0x3b: {  	[sflag:s18] =	ssyncset.done @!p1 $0x0  }
0x3c: {  	[sflag:s18] =	ssyncadd.s32 @!p1 $0xFFFFE000  }
0x3d: {  	_ =	swait.ge @!p1 [sflag:s6], $0x2000  }
0x3e: {  	[sflag:s6] =	ssyncset.done @!p1 $0x0  }
0x3f: {  	[sflag:s6] =	ssyncadd.s32 @!p1 $0xFFFFE000  }
0x40: {  	_ =	swait.ge @!p1 [sflag:s6], $0x80  }
0x41: {  	[sflag:s6] =	ssyncset.done @!p1 $0x0  }
0x42: {  	[sflag:s6] =	ssyncadd.s32 @!p1 $0xFFFFFF80;
	s6 =	simm.s32 @!p1 $0x8  }
0x43: {  	_ =	swait.ge @!p1 [sflag:s6], $0x2000  }
0x44: {  	[sflag:s6] =	ssyncset.done @!p1 $0x0  }
0x45: {  	[sflag:s6] =	ssyncadd.s32 @!p1 $0xFFFFE000  }
0x46: {  	[bflag:$0x0] =	sbarrier.arrive $0xFFFF  }
0x47: {  	s17 =	rddreg [dreg:$0x9]  }
0x48: {  	s11 =	rddreg [dreg:$0xc]  }
0x49: {  	s12 =	simm.s32 $0xB;
	s25 =	rddreg [dreg:$0x10]  }
0x4a: {  	[hbm:s25], [sflag:s17] =	dma.local [spmem:s11], $0x13C0  }
0x4b: {  	_ =	swait.ge [sflag:s12], $0x13C0  }
0x4c: {  	[sflag:s12] =	ssyncset.done $0x0;
	s6 =	rddreg [dreg:$0xa]  }
0x4d: {  	s13 =	rddreg [dreg:$0xf];
	[sflag:s12] =	ssyncadd.s32 $0xFFFFEC40  }
0x4e: {  	[hbm:s6], [sflag:s17] =	dma.local @!p0 [spmem:s13], $0x4F0  }
0x4f: {  	s6 =	simm.s32 @!p0 $0xB  }
0x50: {  	_ =	swait.ge @!p0 [sflag:s6], $0x4F0  }
0x51: {  	s29 =	rddreg [dreg:$0x11]  }
0x52: {  	s30 =	rddreg [dreg:$0xb];
	s9 =	sadd.s32 $0x1, s29  }
0x53: {  	p3 =	sne.s32 s9, s30  }
.Ltmp1:
0x54: {  	_ = 	snop;
	(pc) =	sbr.rel @!p3 .LBB2_5-.Ltmp1, $3  }
0x55: {  	_ =	sdelay $0x1  }
0x56: {  	[sflag:s6] =	ssyncset.done @!p0 $0x0  }
0x57: {  	[sflag:s6] =	ssyncadd.s32 @!p0 $0xFFFFFB10  }
.LBB2_1:
0x58: {  	[dreg:$0x11] =	wrdreg s9  }
0x59: {  	s6 =	rddreg [dreg:$0x6]  }
0x5a: {  	[spmem:s11], [sflag:s17] =	dma.local [hbm:s6], $0x13C0  }
0x5b: {  	_ =	swait.ge [sflag:s12], $0x13C0  }
0x5c: {  	[sflag:s12] =	ssyncset.done $0x0;
	s25 =	rddreg [dreg:$0xd]  }
0x5d: {  	s8 =	rddreg [dreg:$0xe];
	[sflag:s12] =	ssyncadd.s32 $0xFFFFEC40  }
0x5e: {  	[spmem:s8], [sflag:s17] =	dma.local [hbm:s25], $0x13C0  }
0x5f: {  	_ =	swait.ge [sflag:s12], $0x13C0  }
0x60: {  	[sflag:s12] =	ssyncset.done $0x0  }
0x61: {  	s6 =	rddreg [dreg:$0x7];
	[sflag:s12] =	ssyncadd.s32 $0xFFFFEC40  }
0x62: {  	[spmem:s13], [sflag:s17] =	dma.local @!p0 [hbm:s6], $0x4F0  }
0x63: {  	s6 =	simm.s32 @!p0 $0xB  }
0x64: {  	_ =	swait.ge @!p0 [sflag:s6], $0x4F0  }
0x65: {  	[sflag:s6] =	ssyncset.done @!p0 $0x0  }
0x66: {  	s30 =	simm.s32 $0x8800;
	s29 =	rddreg [dreg:$0x8];
	[sflag:s6] =	ssyncadd.s32 @!p0 $0xFFFFFB10  }
0x67: {  	[tilespmem:s30], [sflag:$0xB] =	stream.linear.gather [hbm4b:s29+s4], $0x80, $0x38;
	[tilespmem:$0x1C6F8] =	vst v63  }
0x68: {  	_ =	swait.ge [sflag:s12], $0x80  }
0x69: {  	[sflag:s12] =	ssyncset.done $0x0  }
0x6a: {  	[sflag:s12] =	ssyncadd.s32 $0xFFFFFF80  }
0x6b: {  	[tilespmem:s4], [sflag:$0x9] =	stream.linear.gather [hbm4b:s10+s4], $0x400, $0x38;
	[tilespmem:$0x1C6F8] =	vst v63  }
0x6c: {  	s17 =	simm.s32 $0x0;
	[bflag:$0x0] =	sbarrier.arrive $0xFFFF  }
.LBB2_2:
0x6d: {  	p3 =	seq.s32 s17, $0x0  }
0x6e: {  	s6 =	simm.s32 @p3 $0x9  }
0x6f: {  	_ =	swait.ge @p3 [sflag:s6], $0x400  }
0x70: {  	s8 =	simm.s32 @p3 $0x0;
	[sflag:s6] =	ssyncset.done @p3 $0x0  }
0x71: {  	s9 =	simm.s32 @p3 $0x800;
	[sflag:s6] =	ssyncadd.s32 @p3 $0xFFFFFC00;
	s6 =	simm.s32 @p3 $0x80  }
0x72: {  	[tilespmem:s9], [sflag:$0x1] =	stream.indirect.gather @p3 [spmem:s2], $0x40, s8, s6, $0xb8;
	[tilespmem:$0x1C6F8] =	vst v63  }
0x73: {  	s6 =	simm.s32 @!p3 $0x5  }
0x74: {  	p4 =	sne.s32 @!p3 s5, $0x0;
	_ =	swait.ge @!p3 [sflag:s6], $0x2000  }
0x75: {  	p5 =	por !p4, p3;
	[sflag:s6] =	ssyncset.done @!p3 $0x0  }
0x76: {  	[sflag:s6] =	ssyncadd.s32 @!p3 $0xFFFFE000;
	s6 =	simm.s32 @!p5 $0x9  }
0x77: {  	_ =	swait.ge @!p5 [sflag:s6], $0x400  }
0x78: {  	s8 =	simm.s32 @!p5 $0x0;
	[sflag:s6] =	ssyncset.done @!p5 $0x0  }
0x79: {  	s9 =	simm.s32 @!p5 $0x800;
	[sflag:s6] =	ssyncadd.s32 @!p5 $0xFFFFFC00;
	s6 =	simm.s32 @!p5 $0x80  }
0x7a: {  	[tilespmem:s9], [sflag:$0x1] =	stream.indirect.gather @!p5 [spmem:s2], $0x40, s8, s6, $0xb8;
	[tilespmem:$0x1C6F8] =	vst v63  }
0x7b: {  	s8 =	simm.s32 @!p5 $0x4  }
0x7c: {  	_ =	swait.ge @!p5 [sflag:s8], $0x2000  }
0x7d: {  	[sflag:s8] =	ssyncset.done @!p5 $0x0  }
0x7e: {  	s9 =	simm.s32 @!p5 $0x6800;
	[sflag:s8] =	ssyncadd.s32 @!p5 $0xFFFFE000;
	s8 =	simm.s32 @!p5 $0x780  }
0x7f: {  	[spmem:s1] =	stream.indirect.scatter.add.f32 @!p5 [tilespmem:s9], [sflag:$0x8], $0x40, s8, s6, $0xb8;
	[tilespmem:$0x1C6F8] =	vst v63  }
0x80: {  	s9 =	simm.s32 @!p5 $0x8800  }
0x81: {  	[spmem:s3] =	stream.indirect.scatter.add.f32 @!p5 [tilespmem:s9], [sflag:$0x8], $0x1, s8, s6, $0xb8;
	[tilespmem:$0x1C6F8] =	vst v63  }
0x82: {  	s6 =	simm.s32 @!p5 $0x6  }
0x83: {  	_ =	swait.ge @!p5 [sflag:s6], $0x2000  }
0x84: {  	[sflag:s6] =	ssyncset.done @!p5 $0x0  }
0x85: {  	[sflag:s6] =	ssyncadd.s32 @!p5 $0xFFFFE000  }
0x86: {  	_ =	swait.ge @!p5 [sflag:s6], $0x80  }
0x87: {  	p3 =	por p4, p3;
	[sflag:s6] =	ssyncset.done @!p5 $0x0  }
0x88: {  	[sflag:s6] =	ssyncadd.s32 @!p5 $0xFFFFFF80;
	s6 =	simm.s32 @!p3 $0x5  }
0x89: {  	_ =	swait.ge @!p3 [sflag:s6], $0x80  }
0x8a: {  	[sflag:s6] =	ssyncset.done @!p3 $0x0  }
0x8b: {  	[sflag:s6] =	ssyncadd.s32 @!p3 $0xFFFFFF80;
	s6 =	simm.s32 @!p3 $0x9  }
0x8c: {  	_ =	swait.ge @!p3 [sflag:s6], $0x400  }
0x8d: {  	s8 =	simm.s32 @!p3 $0x0;
	[sflag:s6] =	ssyncset.done @!p3 $0x0  }
0x8e: {  	s9 =	simm.s32 @!p3 $0x800;
	[sflag:s6] =	ssyncadd.s32 @!p3 $0xFFFFFC00;
	s6 =	simm.s32 @!p3 $0x80  }
0x8f: {  	[tilespmem:s9], [sflag:$0x1] =	stream.indirect.gather @!p3 [spmem:s2], $0x40, s8, s6, $0xb8;
	[tilespmem:$0x1C6F8] =	vst v63  }
0x90: {  	s8 =	simm.s32 @!p3 $0x4  }
0x91: {  	_ =	swait.ge @!p3 [sflag:s8], $0x2000  }
0x92: {  	[sflag:s8] =	ssyncset.done @!p3 $0x0  }
0x93: {  	s9 =	simm.s32 @!p3 $0x6800;
	[sflag:s8] =	ssyncadd.s32 @!p3 $0xFFFFE000;
	s8 =	simm.s32 @!p3 $0x780  }
0x94: {  	[spmem:s1] =	stream.indirect.scatter.add.f32 @!p3 [tilespmem:s9], [sflag:$0x8], $0x40, s8, s6, $0xb8;
	[tilespmem:$0x1C6F8] =	vst v63  }
0x95: {  	s6 =	simm.s32 @!p3 $0x6  }
0x96: {  	_ =	swait.ge @!p3 [sflag:s6], $0x2000  }
0x97: {  	[sflag:s6] =	ssyncset.done @!p3 $0x0  }
0x98: {  	s25 =	simm.s32 $0x100;
	[sflag:s6] =	ssyncadd.s32 @!p3 $0xFFFFE000  }
0x99: {  	[tilespmem:s21], [sflag:$0x2] =	stream.indirect.gather [spmem:s2], $0x40, s25, s19, $0xb8;
	[tilespmem:$0x1C6F8] =	vst v63  }
0x9a: {  	p3 =	seq.s32 @p1 s17, $0x0;
	_ =	swait.ge [sflag:s22], $0x2000  }
0x9b: {  	p3 =	por p3, !p1;
	[sflag:s22] =	ssyncset.done $0x0  }
0x9c: {  	s6 =	simm.s32 @!p3 $0x7;
	[sflag:s22] =	ssyncadd.s32 $0xFFFFE000  }
0x9d: {  	[spmem:s1] =	stream.indirect.scatter.add.f32 [tilespmem:s23], [sflag:$0x5], $0x40, s19, s19, $0xb8;
	[tilespmem:$0x1C6F8] =	vst v63  }
0x9e: {  	p4 =	seq.s32 @!p1 s17, $0x0;
	_ =	swait.ge @!p3 [sflag:s6], $0x2000  }
0x9f: {  	s14 =	simm.s32 @!p1 $0x8800;
	p4 =	por p4, p1;
	[sflag:s6] =	ssyncset.done @!p3 $0x0  }
0xa0: {  	s9 =	simm.s32 @!p1 $0x80;
	[sflag:s6] =	ssyncadd.s32 @!p3 $0xFFFFE000;
	s6 =	simm.s32 @!p4 $0x7  }
0xa1: {  	[spmem:s3] =	stream.indirect.scatter.add.f32 @!p1 [tilespmem:s14], [sflag:$0x5], $0x1, s9, s9, $0xb8;
	[tilespmem:$0x1C6F8] =	vst v63  }
0xa2: {  	_ =	swait.ge @!p4 [sflag:s6], $0x2000  }
0xa3: {  	[sflag:s6] =	ssyncset.done @!p4 $0x0  }
0xa4: {  	[sflag:s6] =	ssyncadd.s32 @!p4 $0xFFFFE000  }
0xa5: {  	_ =	swait.ge @!p4 [sflag:s6], $0x80  }
0xa6: {  	[sflag:s6] =	ssyncset.done @!p4 $0x0  }
0xa7: {  	s8 =	simm.s32 $0x200;
	[sflag:s6] =	ssyncadd.s32 @!p4 $0xFFFFFF80  }
0xa8: {  	[tilespmem:s26], [sflag:$0x3] =	stream.indirect.gather [spmem:s2], $0x40, s8, s19, $0xb8;
	[tilespmem:$0x1C6F8] =	vst v63  }
0xa9: {  	_ =	swait.ge [sflag:s28], $0x2000  }
0xaa: {  	[sflag:s28] =	ssyncset.done $0x0  }
0xab: {  	s11 =	simm.s32 $0x180;
	[sflag:s28] =	ssyncadd.s32 $0xFFFFE000  }
0xac: {  	[spmem:s1] =	stream.indirect.scatter.add.f32 [tilespmem:s21], [sflag:$0x6], $0x40, s11, s19, $0xb8;
	[tilespmem:$0x1C6F8] =	vst v63  }
0xad: {  	s13 =	simm.s32 @p1 $0x80;
	s20 =	simm.s32 @p1 $0x8800;
	s6 =	simm.s32 @p1 $0x180  }
0xae: {  	[spmem:s3] =	stream.indirect.scatter.add.f32 @p1 [tilespmem:s20], [sflag:$0x6], $0x1, s6, s13, $0xb8;
	[tilespmem:$0x1C6F8] =	vst v63  }
0xaf: {  	s6 =	simm.s32 @!p3 $0x8  }
0xb0: {  	_ =	swait.ge @!p3 [sflag:s6], $0x2000  }
0xb1: {  	[sflag:s6] =	ssyncset.done @!p3 $0x0  }
0xb2: {  	[sflag:s6] =	ssyncadd.s32 @!p3 $0xFFFFE000  }
0xb3: {  	_ =	swait.ge @!p3 [sflag:s6], $0x80  }
0xb4: {  	[sflag:s6] =	ssyncset.done @!p3 $0x0  }
0xb5: {  	[sflag:s6] =	ssyncadd.s32 @!p3 $0xFFFFFF80;
	s6 =	simm.s32 @!p4 $0x8  }
0xb6: {  	_ =	swait.ge @!p4 [sflag:s6], $0x2000  }
0xb7: {  	[sflag:s6] =	ssyncset.done @!p4 $0x0  }
0xb8: {  	s12 =	simm.s32 $0x300;
	[sflag:s6] =	ssyncadd.s32 @!p4 $0xFFFFE000  }
0xb9: {  	[tilespmem:s31], [sflag:$0x4] =	stream.indirect.gather [spmem:s2], $0x40, s12, s19, $0xb8;
	[tilespmem:$0x1C6F8] =	vst v63  }
0xba: {  	_ =	swait.ge [sflag:s0], $0x2000  }
0xbb: {  	[sflag:s0] =	ssyncset.done $0x0  }
0xbc: {  	s15 =	simm.s32 $0x280;
	[sflag:s0] =	ssyncadd.s32 $0xFFFFE000  }
0xbd: {  	[spmem:s1] =	stream.indirect.scatter.add.f32 [tilespmem:s26], [sflag:$0x7], $0x40, s15, s19, $0xb8;
	[tilespmem:$0x1C6F8] =	vst v63  }
0xbe: {  	s29 =	sadd.s32 s17, s10;
	s6 =	simm.s32 @!p1 $0x280  }
0xbf: {  	[spmem:s3] =	stream.indirect.scatter.add.f32 @!p1 [tilespmem:s14], [sflag:$0x7], $0x1, s6, s9, $0xb8;
	[tilespmem:$0x1C6F8] =	vst v63  }
0xc0: {  	s18 =	sadd.s32 $0x80, s29;
	s25 =	simm.s32 $0x400  }
0xc1: {  	[tilespmem:s25], [sflag:$0xA] =	stream.linear.gather [hbm4b:s18+s4], $0x400, $0x38;
	[tilespmem:$0x1C6F8] =	vst v63  }
0xc2: {  	_ =	swait.ge [sflag:s7], $0x2000  }
0xc3: {  	[sflag:s7] =	ssyncset.done $0x0  }
0xc4: {  	s6 =	simm.s32 @p1 $0xA;
	[sflag:s7] =	ssyncadd.s32 $0xFFFFE000  }
0xc5: {  	_ =	swait.ge @p1 [sflag:s6], $0x400  }
0xc6: {  	[sflag:s6] =	ssyncset.done @p1 $0x0  }
0xc7: {  	s8 =	simm.s32 @p1 $0x800;
	[sflag:s6] =	ssyncadd.s32 @p1 $0xFFFFFC00;
	s6 =	simm.s32 @p1 $0x400  }
0xc8: {  	[tilespmem:s8], [sflag:$0x1] =	stream.indirect.gather @p1 [spmem:s2], $0x40, s6, s13, $0xb8;
	[tilespmem:$0x1C6F8] =	vst v63  }
0xc9: {  	s6 =	simm.s32 @p1 $0x4  }
0xca: {  	_ =	swait.ge @p1 [sflag:s6], $0x2000  }
0xcb: {  	[sflag:s6] =	ssyncset.done @p1 $0x0  }
0xcc: {  	s8 =	simm.s32 @p1 $0x6800;
	[sflag:s6] =	ssyncadd.s32 @p1 $0xFFFFE000;
	s6 =	simm.s32 @p1 $0x380  }
0xcd: {  	[spmem:s1] =	stream.indirect.scatter.add.f32 @p1 [tilespmem:s8], [sflag:$0x8], $0x40, s6, s13, $0xb8;
	[tilespmem:$0x1C6F8] =	vst v63  }
0xce: {  	s30 =	simm.s32 @p1 $0x6  }
0xcf: {  	[spmem:s3] =	stream.indirect.scatter.add.f32 @p1 [tilespmem:s20], [sflag:$0x8], $0x1, s6, s13, $0xb8;
	[tilespmem:$0x1C6F8] =	vst v63  }
0xd0: {  	_ =	swait.ge @p1 [sflag:s30], $0x2000  }
0xd1: {  	[sflag:s30] =	ssyncset.done @p1 $0x0  }
0xd2: {  	[sflag:s30] =	ssyncadd.s32 @p1 $0xFFFFE000  }
0xd3: {  	_ =	swait.ge @p1 [sflag:s30], $0x80  }
0xd4: {  	[sflag:s30] =	ssyncset.done @p1 $0x0  }
0xd5: {  	s25 =	simm.s32 @!p1 $0x5;
	[sflag:s30] =	ssyncadd.s32 @p1 $0xFFFFFF80  }
0xd6: {  	_ =	swait.ge @!p1 [sflag:s25], $0x80  }
0xd7: {  	[sflag:s25] =	ssyncset.done @!p1 $0x0  }
0xd8: {  	s6 =	simm.s32 @!p1 $0xA;
	[sflag:s25] =	ssyncadd.s32 @!p1 $0xFFFFFF80  }
0xd9: {  	_ =	swait.ge @!p1 [sflag:s6], $0x400  }
0xda: {  	[sflag:s6] =	ssyncset.done @!p1 $0x0  }
0xdb: {  	s8 =	simm.s32 @!p1 $0x800;
	[sflag:s6] =	ssyncadd.s32 @!p1 $0xFFFFFC00;
	s6 =	simm.s32 @!p1 $0x400  }
0xdc: {  	[tilespmem:s8], [sflag:$0x1] =	stream.indirect.gather @!p1 [spmem:s2], $0x40, s6, s9, $0xb8;
	[tilespmem:$0x1C6F8] =	vst v63  }
0xdd: {  	s6 =	simm.s32 @!p1 $0x4  }
0xde: {  	_ =	swait.ge @!p1 [sflag:s6], $0x2000  }
0xdf: {  	s18 =	simm.s32 @!p1 $0x6;
	[sflag:s6] =	ssyncset.done @!p1 $0x0  }
0xe0: {  	s8 =	simm.s32 @!p1 $0x6800;
	[sflag:s6] =	ssyncadd.s32 @!p1 $0xFFFFE000;
	s6 =	simm.s32 @!p1 $0x380  }
0xe1: {  	[spmem:s1] =	stream.indirect.scatter.add.f32 @!p1 [tilespmem:s8], [sflag:$0x8], $0x40, s6, s9, $0xb8;
	[tilespmem:$0x1C6F8] =	vst v63  }
0xe2: {  	_ =	swait.ge @!p1 [sflag:s18], $0x2000  }
0xe3: {  	[sflag:s18] =	ssyncset.done @!p1 $0x0  }
0xe4: {  	s11 =	simm.s32 $0x500;
	[sflag:s18] =	ssyncadd.s32 @!p1 $0xFFFFE000  }
0xe5: {  	[tilespmem:s21], [sflag:$0x2] =	stream.indirect.gather [spmem:s2], $0x40, s11, s19, $0xb8;
	[tilespmem:$0x1C6F8] =	vst v63  }
0xe6: {  	_ =	swait.ge [sflag:s22], $0x2000  }
0xe7: {  	[sflag:s22] =	ssyncset.done $0x0  }
0xe8: {  	s12 =	simm.s32 $0x480;
	s8 =	simm.s32 @p1 $0x7;
	[sflag:s22] =	ssyncadd.s32 $0xFFFFE000  }
0xe9: {  	[spmem:s1] =	stream.indirect.scatter.add.f32 [tilespmem:s23], [sflag:$0x5], $0x40, s12, s19, $0xb8;
	[tilespmem:$0x1C6F8] =	vst v63  }
0xea: {  	_ =	swait.ge @p1 [sflag:s8], $0x2000  }
0xeb: {  	[sflag:s8] =	ssyncset.done @p1 $0x0  }
0xec: {  	s6 =	simm.s32 @!p1 $0x480;
	[sflag:s8] =	ssyncadd.s32 @p1 $0xFFFFE000  }
0xed: {  	[spmem:s3] =	stream.indirect.scatter.add.f32 @!p1 [tilespmem:s14], [sflag:$0x5], $0x1, s6, s9, $0xb8;
	[tilespmem:$0x1C6F8] =	vst v63  }
0xee: {  	s6 =	simm.s32 @!p1 $0x7  }
0xef: {  	_ =	swait.ge @!p1 [sflag:s6], $0x2000  }
0xf0: {  	[sflag:s6] =	ssyncset.done @!p1 $0x0  }
0xf1: {  	[sflag:s6] =	ssyncadd.s32 @!p1 $0xFFFFE000  }
0xf2: {  	_ =	swait.ge @!p1 [sflag:s6], $0x80  }
0xf3: {  	[sflag:s6] =	ssyncset.done @!p1 $0x0  }
0xf4: {  	s11 =	simm.s32 $0x600;
	[sflag:s6] =	ssyncadd.s32 @!p1 $0xFFFFFF80  }
0xf5: {  	[tilespmem:s26], [sflag:$0x3] =	stream.indirect.gather [spmem:s2], $0x40, s11, s19, $0xb8;
	[tilespmem:$0x1C6F8] =	vst v63  }
0xf6: {  	_ =	swait.ge [sflag:s28], $0x2000  }
0xf7: {  	[sflag:s28] =	ssyncset.done $0x0  }
0xf8: {  	s15 =	simm.s32 $0x580;
	s11 =	simm.s32 @p2 $0x8;
	[sflag:s28] =	ssyncadd.s32 $0xFFFFE000  }
0xf9: {  	[spmem:s1] =	stream.indirect.scatter.add.f32 [tilespmem:s21], [sflag:$0x6], $0x40, s15, s19, $0xb8;
	[tilespmem:$0x1C6F8] =	vst v63  }
0xfa: {  	_ =	swait.ge @p2 [sflag:s11], $0x2000  }
0xfb: {  	s12 =	simm.s32 @!p2 $0x580;
	[sflag:s11] =	ssyncset.done @p2 $0x0  }
0xfc: {  	s15 =	simm.s32 @!p2 $0x8800;
	[sflag:s11] =	ssyncadd.s32 @p2 $0xFFFFE000;
	s11 =	simm.s32 @!p2 $0x80  }
0xfd: {  	[spmem:s3] =	stream.indirect.scatter.add.f32 @!p2 [tilespmem:s15], [sflag:$0x6], $0x1, s12, s11, $0xb8;
	[tilespmem:$0x1C6F8] =	vst v63  }
0xfe: {  	s11 =	simm.s32 @!p2 $0x8  }
0xff: {  	_ =	swait.ge @!p2 [sflag:s11], $0x2000  }
0x100: {  	[sflag:s11] =	ssyncset.done @!p2 $0x0  }
0x101: {  	[sflag:s11] =	ssyncadd.s32 @!p2 $0xFFFFE000  }
0x102: {  	_ =	swait.ge @!p2 [sflag:s11], $0x80  }
0x103: {  	[sflag:s11] =	ssyncset.done @!p2 $0x0  }
0x104: {  	[sflag:s11] =	ssyncadd.s32 @!p2 $0xFFFFFF80  }
0x105: {  	[tilespmem:s31], [sflag:$0x4] =	stream.indirect.gather [spmem:s2], $0x40, s16, s19, $0xb8;
	[tilespmem:$0x1C6F8] =	vst v63  }
0x106: {  	p3 =	seq.s32 s17, $0x1300;
	_ =	swait.ge [sflag:s0], $0x2000  }
.Ltmp2:
0x107: {  	[sflag:s0] =	ssyncset.done $0x0;
	(pc) =	sbr.rel @p3 .LBB2_4-.Ltmp2, $4  }
0x108: {  	[sflag:s0] =	ssyncadd.s32 $0xFFFFE000  }
0x109: {  	[spmem:s1] =	stream.indirect.scatter.add.f32 [tilespmem:s26], [sflag:$0x7], $0x40, s24, s19, $0xb8;
	[tilespmem:$0x1C6F8] =	vst v63  }
0x10a: {  	s11 =	simm.s32 @!p1 $0x680  }
0x10b: {  	[spmem:s3] =	stream.indirect.scatter.add.f32 @!p1 [tilespmem:s14], [sflag:$0x7], $0x1, s11, s9, $0xb8;
	[tilespmem:$0x1C6F8] =	vst v63  }
.Ltmp3:
0x10c: {  	(pc) =	sbr.rel .LBB2_2-.Ltmp3, $3  }
0x10d: {  	_ =	sdelay $0x1  }
0x10e: {  	s6 =	sadd.s32 $0x100, s29;
	s17 =	sadd.s32 $0x100, s17  }
0x10f: {  	[tilespmem:s4], [sflag:$0x9] =	stream.linear.gather [hbm4b:s6+s4], $0x400, $0x38;
	[tilespmem:$0x1C6F8] =	vst v63  }
.LBB2_5:
0x110: {  	_ =	sfence.sel $0x180000  }
0x111: {  	[bflag:$0x0] =	sbarrier.arrive $0xFFFF  }
0x112: {  	_ =	strace $0x90000047  }
0x113: {  	[bflag:$0x2] =	sbarrier.arrive $0xFFFF  }
0x114: {  	s0 =	rddreg [dreg:$0x5]  }
0x115: {  	s0 =	sadd.s32 @!p0 $0x100000, s0  }
0x116: {  	[sflag:s0] =	ssyncadd.tile.s32 @!p0 $0x1;
	_ =	shalt  }
.Lfunc_end2:
_tile_overlayer_lowered:
.L_overlay_start_2:
0x117: {  	(tag) =	ssettag $0x2  }
0x118: {  	s0 =	rddreg [dreg:$0x0];
	s2 =	stileid.u32  }
0x119: {  	s1 =	rddreg [dreg:$0x1];
	p0 =	sne.s32 s2, $0x0  }
0x11a: {  	s3 =	rddreg [dreg:$0x2];
	[bflag:$0x3] =	sbarrier.arrive $0xFFFF;
	s2 =	simm.s32 @!p0 $0x1C0B  }
0x11b: {  	[timem:s3], [sflag:s2] =	dma.local @!p0 [hbm:s0], s1  }
0x11c: {  	s0 =	simm.s32 @!p0 $0xB  }
0x11d: {  	_ =	swait.ge @!p0 [sflag:s0], s1  }
0x11e: {  	s1 =	ssub.s32 @!p0 $0x0, s1;
	[sflag:s0] =	ssyncset.done @!p0 $0x0  }
0x11f: {  	[sflag:s0] =	ssyncadd.s32 @!p0 s1  }
0x120: {  	[bflag:$0x3] =	sbarrier.arrive $0xFFFF  }
0x121: {  	_ =	shalt  }

</sc_bundles>
